<compile_context>
chip_gen: v7x
topology: tpu7x:2x2x1
jax: 0.10.2.dev20260603
libtpu: 0.0.44.dev20260713+nightly
codegen_flags: <defaults>
</compile_context>

<pallas_src>
import functools

import jax
import jax.numpy as jnp
import numpy as np
from jax import lax
from jax.experimental import pallas as pl
from jax.experimental.pallas import tpu as pltpu
from jax.experimental.pallas import tpu_sc as plsc

N_NODES = 10000
N_EDGES = 160000
C = 16
HID = 256

NW = 32
CBS = 128
NCHUNK = 40
EPW = 5000
EPWP = CBS * NCHUNK
DUMMY = N_NODES
ZR = 632
NP = ZR * 16

_SC_PARAMS = pltpu.CompilerParams(use_tc_tiling_on_sc=False)


def _sc_mesh():
    return plsc.VectorSubcoreMesh(core_axis_name="c", subcore_axis_name="s")


_R_NP = np.zeros((C, HID), np.float32)
_R_NP[np.arange(HID) // C, np.arange(HID)] = 1.0
_S_NP = np.zeros((HID, C), np.float32)
_S_NP[np.arange(HID), np.arange(HID) % C] = 1.0



@functools.lru_cache(maxsize=None)
def _make_sc_gather():
    @functools.partial(
        pl.kernel,
        mesh=_sc_mesh(),
        out_type=jax.ShapeDtypeStruct((N_EDGES, 128), jnp.float32),
        scratch_types=[
            pltpu.VMEM((NCHUNK, CBS), jnp.int32),
            pltpu.VMEM((EPWP, C), jnp.float32),
            pltpu.SemaphoreType.DMA,
        ],
        compiler_params=_SC_PARAMS,
    )
    def _sc_gather(table_hbm, idx_hbm, out_hbm, idx_v, rows_v, sem):
        cid = lax.axis_index("c")
        sid = lax.axis_index("s")
        wid = sid * 2 + cid
        pltpu.sync_copy(idx_hbm.at[wid], idx_v)

        def fire(j, carry):
            pltpu.async_copy(
                table_hbm.at[idx_v.at[j]],
                rows_v.at[pl.ds(j * CBS, CBS)],
                sem,
            )
            return carry

        lax.fori_loop(0, NCHUNK, fire, 0)

        def drain(j, carry):
            pltpu.make_async_copy(
                table_hbm.at[idx_v.at[j]],
                rows_v.at[pl.ds(j * CBS, CBS)],
                sem,
            ).wait()
            return carry

        lax.fori_loop(0, NCHUNK, drain, 0)
        pltpu.sync_copy(rows_v.at[pl.ds(0, EPW)],
                        out_hbm.at[pl.ds(wid * EPW, EPW), pl.ds(0, C)])

    return _sc_gather



def _scatter_body(with_cnt, msg_hbm, dst_hbm, sum_out, cnt_out,
                  msg_v, idx_v, ones_v, zrow_v, sum_s, cnt_s, sem):
    cid = lax.axis_index("c")
    sid = lax.axis_index("s")
    wid = sid * 2 + cid

    pltpu.sync_copy(msg_hbm.at[pl.ds(wid * EPW, EPW), pl.ds(0, C)],
                    msg_v.at[pl.ds(0, EPW)])
    pltpu.sync_copy(dst_hbm.at[wid], idx_v)

    def zfill(r, carry):
        zrow_v[r] = jnp.zeros((C,), jnp.float32)
        return carry

    lax.fori_loop(0, ZR, zfill, 0)

    def zpad(r, carry):
        msg_v[EPW + r] = jnp.zeros((C,), jnp.float32)
        return carry

    lax.fori_loop(0, EPWP - EPW, zpad, 0)
    pltpu.sync_copy(zrow_v, sum_s.at[pl.ds(sid * ZR, ZR)])
    if with_cnt:
        def ofill(r, carry):
            ones_v[r] = jnp.ones((C,), jnp.float32)
            return carry

        lax.fori_loop(0, CBS, ofill, 0)
        pltpu.sync_copy(zrow_v, cnt_s.at[pl.ds(sid * ZR, ZR)])

    plsc.subcore_barrier()

    def scat(j, carry):
        pltpu.async_copy(msg_v.at[pl.ds(j * CBS, CBS)],
                         sum_s.at[idx_v.at[j]], sem, add=True)
        if with_cnt:
            pltpu.async_copy(ones_v, cnt_s.at[idx_v.at[j]], sem, add=True)
        return carry

    lax.fori_loop(0, NCHUNK, scat, 0)

    def scat_drain(j, carry):
        pltpu.make_async_copy(msg_v.at[pl.ds(j * CBS, CBS)],
                              sum_s.at[idx_v.at[j]], sem).wait()
        if with_cnt:
            pltpu.make_async_copy(ones_v, cnt_s.at[idx_v.at[j]], sem).wait()
        return carry

    lax.fori_loop(0, NCHUNK, scat_drain, 0)
    plsc.subcore_barrier()

    sl = pl.ds(sid * ZR, ZR)
    pltpu.sync_copy(sum_s.at[sl], sum_out.at[cid].at[sl, pl.ds(0, C)])
    if with_cnt:
        pltpu.sync_copy(cnt_s.at[sl], cnt_out.at[cid].at[sl, pl.ds(0, C)])


@functools.lru_cache(maxsize=None)
def _make_sc_scatter_cnt():
    @functools.partial(
        pl.kernel,
        mesh=_sc_mesh(),
        out_type=(
            jax.ShapeDtypeStruct((2, NP, 128), jnp.float32),
            jax.ShapeDtypeStruct((2, NP, 128), jnp.float32),
        ),
        scratch_types=[
            pltpu.VMEM((EPWP, C), jnp.float32),
            pltpu.VMEM((NCHUNK, CBS), jnp.int32),
            pltpu.VMEM((CBS, C), jnp.float32),
            pltpu.VMEM((ZR, C), jnp.float32),
            pltpu.VMEM_SHARED((NP, C), jnp.float32),
            pltpu.VMEM_SHARED((NP, C), jnp.float32),
            pltpu.SemaphoreType.DMA,
        ],
        compiler_params=_SC_PARAMS,
    )
    def _sc_scatter_cnt(msg_hbm, dst_hbm, sum_out, cnt_out,
                        msg_v, idx_v, ones_v, zrow_v, sum_s, cnt_s, sem):
        _scatter_body(True, msg_hbm, dst_hbm, sum_out, cnt_out,
                      msg_v, idx_v, ones_v, zrow_v, sum_s, cnt_s, sem)

    return _sc_scatter_cnt


@functools.lru_cache(maxsize=None)
def _make_sc_scatter():
    @functools.partial(
        pl.kernel,
        mesh=_sc_mesh(),
        out_type=jax.ShapeDtypeStruct((2, NP, 128), jnp.float32),
        scratch_types=[
            pltpu.VMEM((EPWP, C), jnp.float32),
            pltpu.VMEM((NCHUNK, CBS), jnp.int32),
            pltpu.VMEM((ZR, C), jnp.float32),
            pltpu.VMEM_SHARED((NP, C), jnp.float32),
            pltpu.SemaphoreType.DMA,
        ],
        compiler_params=_SC_PARAMS,
    )
    def _sc_scatter(msg_hbm, dst_hbm, sum_out,
                    msg_v, idx_v, zrow_v, sum_s, sem):
        _scatter_body(False, msg_hbm, dst_hbm, sum_out, None,
                      msg_v, idx_v, None, zrow_v, sum_s, None, sem)

    return _sc_scatter



EB = 5000


def _msg_body(ea_ref, xs_ref, w1_ref, b1_ref, w2_ref, b2_ref,
              r_ref, s_ref, msg_ref):
    g = jnp.dot(ea_ref[...], w1_ref[...],
                preferred_element_type=jnp.float32) + b1_ref[...]
    g = jnp.where(g > 0, g, 0.01 * g)
    h = jnp.dot(g.astype(jnp.bfloat16), w2_ref[...],
                preferred_element_type=jnp.float32) + b2_ref[...]
    xs = xs_ref[...][:, :C]
    xe = jnp.dot(xs, r_ref[...], preferred_element_type=jnp.float32)
    msg = jnp.dot((xe * h).astype(jnp.bfloat16), s_ref[...],
                  preferred_element_type=jnp.float32)
    msg_ref[...] = jnp.concatenate(
        [msg, jnp.zeros((EB, 128 - C), jnp.float32)], axis=1)


def _tc_msg(ea, xs_packed, w1, b1, w2, b2):
    r = jnp.asarray(_R_NP)
    s = jnp.asarray(_S_NP, dtype=jnp.bfloat16)
    grid = N_EDGES // EB
    return pl.pallas_call(
        _msg_body,
        grid=(grid,),
        in_specs=[
            pl.BlockSpec((EB, C), lambda i: (i, 0)),
            pl.BlockSpec((EB, 128), lambda i: (i, 0)),
            pl.BlockSpec((C, HID), lambda i: (0, 0)),
            pl.BlockSpec((1, HID), lambda i: (0, 0)),
            pl.BlockSpec((HID, HID), lambda i: (0, 0)),
            pl.BlockSpec((1, HID), lambda i: (0, 0)),
            pl.BlockSpec((C, HID), lambda i: (0, 0)),
            pl.BlockSpec((HID, C), lambda i: (0, 0)),
        ],
        out_specs=pl.BlockSpec((EB, 128), lambda i: (i, 0)),
        out_shape=jax.ShapeDtypeStruct((N_EDGES, 128), jnp.float32),
        compiler_params=pltpu.CompilerParams(
            dimension_semantics=("arbitrary",)),
    )(ea, xs_packed, w1, b1.reshape(1, HID),
      w2.astype(jnp.bfloat16), b2.reshape(1, HID), r, s)



def _epi0_body(sum_ref, cnt_ref, x_ref, root_ref, bias_ref,
               h_ref, recip_ref):
    cnt = cnt_ref[0, :N_NODES, :C] + cnt_ref[1, :N_NODES, :C]
    recip = 1.0 / jnp.maximum(cnt, 1.0)
    summ = sum_ref[0, :N_NODES, :C] + sum_ref[1, :N_NODES, :C]
    val = summ * recip + jnp.dot(x_ref[...], root_ref[...],
                                 preferred_element_type=jnp.float32) \
        + bias_ref[...]
    h_ref[...] = jnp.where(val > 0, val, 0.01 * val)
    recip_ref[...] = recip


def _tc_epi0(sums, cnts, x, root, bias):
    return pl.pallas_call(
        _epi0_body,
        in_specs=[
            pl.BlockSpec((2, NP, 128), lambda: (0, 0, 0)),
            pl.BlockSpec((2, NP, 128), lambda: (0, 0, 0)),
            pl.BlockSpec((N_NODES, C), lambda: (0, 0)),
            pl.BlockSpec((C, C), lambda: (0, 0)),
            pl.BlockSpec((1, C), lambda: (0, 0)),
        ],
        out_specs=(
            pl.BlockSpec((N_NODES, C), lambda: (0, 0)),
            pl.BlockSpec((N_NODES, C), lambda: (0, 0)),
        ),
        out_shape=(
            jax.ShapeDtypeStruct((N_NODES, C), jnp.float32),
            jax.ShapeDtypeStruct((N_NODES, C), jnp.float32),
        ),
    )(sums, cnts, x, root, bias.reshape(1, C))


def _epi1_body(sum_ref, recip_ref, h_ref, root_ref, bias_ref, out_ref):
    summ = sum_ref[0, :N_NODES, :C] + sum_ref[1, :N_NODES, :C]
    out_ref[...] = summ * recip_ref[...] \
        + jnp.dot(h_ref[...], root_ref[...],
                  preferred_element_type=jnp.float32) + bias_ref[...]


def _tc_epi1(sums, recip, h, root, bias):
    return pl.pallas_call(
        _epi1_body,
        in_specs=[
            pl.BlockSpec((2, NP, 128), lambda: (0, 0, 0)),
            pl.BlockSpec((N_NODES, C), lambda: (0, 0)),
            pl.BlockSpec((N_NODES, C), lambda: (0, 0)),
            pl.BlockSpec((C, C), lambda: (0, 0)),
            pl.BlockSpec((1, C), lambda: (0, 0)),
        ],
        out_specs=pl.BlockSpec((N_NODES, C), lambda: (0, 0)),
        out_shape=jax.ShapeDtypeStruct((N_NODES, C), jnp.float32),
    )(sums, recip, h, root, bias.reshape(1, C))



def kernel(x, edge_index, edge_attr, W1_0, b1_0, W2_0, b2_0, root_0, bias_0,
           W1_1, b1_1, W2_1, b2_1, root_1, bias_1):
    padw = ((0, 0), (0, EPWP - EPW))
    src3 = jnp.pad(edge_index[0].reshape(NW, EPW), padw)
    src3 = src3.reshape(NW, NCHUNK, CBS)
    dst3 = jnp.pad(edge_index[1].reshape(NW, EPW), padw,
                   constant_values=DUMMY)
    dst3 = dst3.reshape(NW, NCHUNK, CBS)

    gather = _make_sc_gather()
    xs0 = gather(x, src3)
    msg0 = _tc_msg(edge_attr, xs0, W1_0, b1_0, W2_0, b2_0)
    sum0, cnt = _make_sc_scatter_cnt()(msg0, dst3)
    h1, recip = _tc_epi0(sum0, cnt, x, root_0, bias_0)

    xs1 = gather(h1, src3)
    msg1 = _tc_msg(edge_attr, xs1, W1_1, b1_1, W2_1, b2_1)
    sum1 = _make_sc_scatter()(msg1, dst3)
    return _tc_epi1(sum1, recip, h1, root_1, bias_1)

# --- scband reference (transcript-rebuilt; emitter-appended) ---
"""Pipeline reference for scband-gcnwith-edge-65335042506766 (READ-ONLY COPY).

The authoritative reference and input builder live on the scoring server;
editing this copy changes nothing except your own understanding.
"""

import jax, jax.numpy as jnp
import numpy as np

N_NODES = 10000
N_EDGES = 160000
IN_C = 16
OUT_C = 16
HID = IN_C * OUT_C  # 256
EDGE_DIM = 16


def _xavier(key, shape, gain=1.0):
    fan_in, fan_out = shape[0], shape[1]
    limit = gain * np.sqrt(6.0 / (fan_in + fan_out))
    return jax.random.uniform(key, shape, minval=-limit, maxval=limit, dtype=jnp.float32)


def setup_inputs(seed: int = 0) -> dict:
    key = jax.random.key(seed)
    ks = jax.random.split(key, 16)
    x = jax.random.normal(ks[0], (N_NODES, IN_C), dtype=jnp.float32)
    edge_index = jax.random.randint(ks[1], (2, N_EDGES), 0, N_NODES, dtype=jnp.int32)
    edge_attr = jax.random.normal(ks[2], (N_EDGES, EDGE_DIM), dtype=jnp.float32)
    inp = {"x": x, "edge_index": edge_index, "edge_attr": edge_attr}
    for li in range(2):
        o = 3 + li * 6
        inp[f"W1_{li}"] = _xavier(ks[o + 0], (EDGE_DIM, HID))
        inp[f"b1_{li}"] = jnp.zeros((HID,), dtype=jnp.float32)
        inp[f"W2_{li}"] = _xavier(ks[o + 1], (HID, HID), gain=0.01)
        inp[f"b2_{li}"] = jnp.zeros((HID,), dtype=jnp.float32)
        inp[f"root_{li}"] = _xavier(ks[o + 2], (IN_C, OUT_C))
        inp[f"bias_{li}"] = jnp.zeros((OUT_C,), dtype=jnp.float32)
    return inp


def _leaky(h):
    return jnp.where(h > 0, h, 0.01 * h)


def _nnconv(x, src, dst, ea, W1, b1, W2, b2, root, bias):
    # edge MLP: edge_attr -> in*out per-edge weight matrix
    h = ea @ W1 + b1
    h = _leaky(h)
    h = h @ W2 + b2  # [E, IN_C*OUT_C]
    We = h.reshape(-1, IN_C, OUT_C)
    # message: x_src @ W_e, mean-aggregated at dst
    msg = jnp.einsum('ei,eio->eo', x[src], We)
    summed = jax.ops.segment_sum(msg, dst, num_segments=N_NODES)
    cnt = jax.ops.segment_sum(jnp.ones((msg.shape[0],), dtype=x.dtype), dst, num_segments=N_NODES)
    agg = summed / jnp.maximum(cnt, 1.0)[:, None]
    # NNConv root weight + bias
    return agg + x @ root + bias


def reference(x, edge_index, edge_attr, W1_0, b1_0, W2_0, b2_0, root_0, bias_0,
              W1_1, b1_1, W2_1, b2_1, root_1, bias_1):
    src = edge_index[0]
    dst = edge_index[1]
    h = _nnconv(x, src, dst, edge_attr, W1_0, b1_0, W2_0, b2_0, root_0, bias_0)
    h = _leaky(h)
    out = _nnconv(h, src, dst, edge_attr, W1_1, b1_1, W2_1, b2_1, root_1, bias_1)
    return out

if __name__ == "__main__":
    import jax
    _d = setup_inputs()
    print(jax.jit(kernel)(*tuple(_d.values())))

</pallas_src>

<mosaic_0001>
#map = affine_map<(d0, d1) -> (0, 0)>
#map1 = affine_map<(d0, d1) -> (0, 0, 0)>
module attributes {stable_mosaic.version = 14 : i64} {
  func.func @_sc_scatter(%arg0: i32, %arg1: i32, %arg2: memref<160000x128xf32, #tpu.memory_space<hbm>>, %arg3: memref<32x40x128xi32, #tpu.memory_space<hbm>>, %arg4: memref<2x10112x128xf32, #tpu.memory_space<hbm>>, %arg5: memref<5120x16xf32, #tpu.memory_space<vmem>>, %arg6: memref<40x128xi32, #tpu.memory_space<vmem>>, %arg7: memref<632x16xf32, #tpu.memory_space<vmem>>, %arg8: memref<10112x16xf32, #tpu.memory_space<vmem_shared>>, %arg9: memref<!tpu.dma_semaphore, #tpu.memory_space<semaphore_mem>>) attributes {dimension_semantics = [#tpu.dimension_semantics<core_parallel>, #tpu.dimension_semantics<subcore_parallel>], iteration_bounds = array<i64: 2, 16>, scalar_prefetch = 0 : i64, scratch_operands = 5 : i64, tpu.core_type = #tpu.core_type<sc_vector_subcore>, window_params = [{transform_indices = #map}, {transform_indices = #map1}, {transform_indices = #map1}]} {
    %mul3A = arith.constant 2 : i32
    %mul3A_0 = arith.muli %arg1, %mul3A : i32
    %add3A = arith.addi %mul3A_0, %arg0 : i32
    %mul3A_1 = arith.constant 5000 : i32
    %mul3A_2 = arith.muli %add3A, %mul3A_1 : i32
    "tpu.region"() ({
      %run_scoped3A = tpu.sem_alloc : memref<!tpu.dma_semaphore, #tpu.memory_space<semaphore_mem>>
      %dma_start3A = arith.constant 0 : i32
      %dma_start3A_31 = arith.constant 0 : i32
      %dma_start3A_32 = tpu.memref_slice %arg5[%dma_start3A, %dma_start3A_31] : memref<5120x16xf32, #tpu.memory_space<vmem>> -> memref<5000x16xf32, #tpu.memory_space<vmem>>
      %dma_start3A_33 = arith.constant 0 : i32
      %dma_start3A_34 = tpu.memref_slice %arg2[%mul3A_2, %dma_start3A_33] : memref<160000x128xf32, #tpu.memory_space<hbm>> -> memref<5000x16xf32, #tpu.memory_space<hbm>>
      %dma_start3A_35 = arith.constant 0 : i32
      %dma_start3A_36 = arith.constant 0 : i32
      %dma_start3A_37 = tpu.memref_slice %arg5[%dma_start3A_35, %dma_start3A_36] : memref<5120x16xf32, #tpu.memory_space<vmem>> -> memref<5000x16xf32, #tpu.memory_space<vmem>>
      %dma_start3A_38 = arith.constant 0 : i32
      %dma_start3A_39 = tpu.memref_slice %arg2[%mul3A_2, %dma_start3A_38] : memref<160000x128xf32, #tpu.memory_space<hbm>> -> memref<5000x16xf32, #tpu.memory_space<hbm>>
      tpu.enqueue_dma source(%dma_start3A_39 : memref<5000x16xf32, #tpu.memory_space<hbm>>) target(%dma_start3A_37 : memref<5000x16xf32, #tpu.memory_space<vmem>>) target_semaphore(%run_scoped3A : memref<!tpu.dma_semaphore, #tpu.memory_space<semaphore_mem>>)
      %dma_wait3A = arith.constant 0 : i32
      %dma_wait3A_40 = arith.constant 0 : i32
      %dma_wait3A_41 = tpu.memref_slice %arg5[%dma_wait3A, %dma_wait3A_40] : memref<5120x16xf32, #tpu.memory_space<vmem>> -> memref<5000x16xf32, #tpu.memory_space<vmem>>
      %dma_wait3A_42 = arith.constant 0 : i32
      %dma_wait3A_43 = tpu.memref_slice %arg2[%mul3A_2, %dma_wait3A_42] : memref<160000x128xf32, #tpu.memory_space<hbm>> -> memref<5000x16xf32, #tpu.memory_space<hbm>>
      %dma_wait3A_44 = arith.constant 0 : i32
      %dma_wait3A_45 = arith.constant 0 : i32
      %dma_wait3A_46 = tpu.memref_slice %arg5[%dma_wait3A_44, %dma_wait3A_45] : memref<5120x16xf32, #tpu.memory_space<vmem>> -> memref<5000x16xf32, #tpu.memory_space<vmem>>
      %dma_wait3A_47 = arith.constant 0 : i32
      %dma_wait3A_48 = tpu.memref_slice %arg2[%mul3A_2, %dma_wait3A_47] : memref<160000x128xf32, #tpu.memory_space<hbm>> -> memref<5000x16xf32, #tpu.memory_space<hbm>>
      tpu.wait_dma2 semaphore(%run_scoped3A : memref<!tpu.dma_semaphore, #tpu.memory_space<semaphore_mem>>) src(%dma_wait3A_48 : memref<5000x16xf32, #tpu.memory_space<hbm>>) dst(%dma_wait3A_46 : memref<5000x16xf32, #tpu.memory_space<vmem>>)
      tpu.yield
    }) : () -> ()
    "tpu.region"() ({
      %run_scoped3A = tpu.sem_alloc : memref<!tpu.dma_semaphore, #tpu.memory_space<semaphore_mem>>
      %dma_start3A = arith.constant 0 : i32
      %dma_start3A_31 = arith.constant 0 : i32
      %dma_start3A_32 = tpu.memref_slice %arg3[%add3A, %dma_start3A, %dma_start3A_31] : memref<32x40x128xi32, #tpu.memory_space<hbm>> -> memref<1x40x128xi32, #tpu.memory_space<hbm>>
      %dma_start3A_33 = tpu.memref_squeeze %dma_start3A_32 : memref<1x40x128xi32, #tpu.memory_space<hbm>> -> memref<40x128xi32, #tpu.memory_space<hbm>>
      %dma_start3A_34 = arith.constant 0 : i32
      %dma_start3A_35 = arith.constant 0 : i32
      %dma_start3A_36 = tpu.memref_slice %arg3[%add3A, %dma_start3A_34, %dma_start3A_35] : memref<32x40x128xi32, #tpu.memory_space<hbm>> -> memref<1x40x128xi32, #tpu.memory_space<hbm>>
      %dma_start3A_37 = tpu.memref_squeeze %dma_start3A_36 : memref<1x40x128xi32, #tpu.memory_space<hbm>> -> memref<40x128xi32, #tpu.memory_space<hbm>>
      tpu.enqueue_dma source(%dma_start3A_37 : memref<40x128xi32, #tpu.memory_space<hbm>>) target(%arg6 : memref<40x128xi32, #tpu.memory_space<vmem>>) target_semaphore(%run_scoped3A : memref<!tpu.dma_semaphore, #tpu.memory_space<semaphore_mem>>)
      %dma_wait3A = arith.constant 0 : i32
      %dma_wait3A_38 = arith.constant 0 : i32
      %dma_wait3A_39 = tpu.memref_slice %arg3[%add3A, %dma_wait3A, %dma_wait3A_38] : memref<32x40x128xi32, #tpu.memory_space<hbm>> -> memref<1x40x128xi32, #tpu.memory_space<hbm>>
      %dma_wait3A_40 = tpu.memref_squeeze %dma_wait3A_39 : memref<1x40x128xi32, #tpu.memory_space<hbm>> -> memref<40x128xi32, #tpu.memory_space<hbm>>
      %dma_wait3A_41 = arith.constant 0 : i32
      %dma_wait3A_42 = arith.constant 0 : i32
      %dma_wait3A_43 = tpu.memref_slice %arg3[%add3A, %dma_wait3A_41, %dma_wait3A_42] : memref<32x40x128xi32, #tpu.memory_space<hbm>> -> memref<1x40x128xi32, #tpu.memory_space<hbm>>
      %dma_wait3A_44 = tpu.memref_squeeze %dma_wait3A_43 : memref<1x40x128xi32, #tpu.memory_space<hbm>> -> memref<40x128xi32, #tpu.memory_space<hbm>>
      tpu.wait_dma2 semaphore(%run_scoped3A : memref<!tpu.dma_semaphore, #tpu.memory_space<semaphore_mem>>) src(%dma_wait3A_44 : memref<40x128xi32, #tpu.memory_space<hbm>>) dst(%arg6 : memref<40x128xi32, #tpu.memory_space<vmem>>)
      tpu.yield
    }) : () -> ()
    %scan3A = arith.constant 0 : i32
    %scan3A_3 = arith.constant 0 : i32
    %scan3A_4 = arith.constant 632 : i32
    %scan3A_5 = arith.addi %scan3A_3, %scan3A_4 : i32
    %scan3A_6 = arith.constant 1 : i32
    scf.for %scan3A_31 = %scan3A_3 to %scan3A_5 step %scan3A_6  : i32 {
      %broadcast_in_dim3A = arith.constant 0.000000e+00 : f32
      %broadcast_in_dim3A_32 = vector.broadcast %broadcast_in_dim3A : f32 to vector<16xf32>
      %swap3A = arith.index_cast %scan3A_31 : i32 to index
      %swap3A_33 = arith.constant 0 : index
      %swap3A_34 = tpu.vector_load %arg7[%swap3A, %swap3A_33] {strides = array<i32>} : memref<632x16xf32, #tpu.memory_space<vmem>>, vector<1x16xf32>,
      %swap3A_35 = vector.shape_cast %swap3A_34 : vector<1x16xf32> to vector<16xf32>
      %swap3A_36 = vector.shape_cast %broadcast_in_dim3A_32 : vector<16xf32> to vector<1x16xf32>
      tpu.vector_store %arg7[%swap3A, %swap3A_33], %swap3A_36 {strides = array<i32>} : memref<632x16xf32, #tpu.memory_space<vmem>>, vector<1x16xf32>,
    }
    %scan3A_7 = arith.constant 632 : i32
    %scan3A_8 = arith.constant 0 : i32
    %scan3A_9 = arith.constant 0 : i32
    %scan3A_10 = arith.constant 120 : i32
    %scan3A_11 = arith.addi %scan3A_9, %scan3A_10 : i32
    %scan3A_12 = arith.constant 1 : i32
    scf.for %scan3A_31 = %scan3A_9 to %scan3A_11 step %scan3A_12  : i32 {
      %broadcast_in_dim3A = arith.constant 0.000000e+00 : f32
      %broadcast_in_dim3A_32 = vector.broadcast %broadcast_in_dim3A : f32 to vector<16xf32>
      %add3A_33 = arith.constant 5000 : i32
      %add3A_34 = arith.addi %add3A_33, %scan3A_31 : i32
      %swap3A = arith.index_cast %add3A_34 : i32 to index
      %swap3A_35 = arith.constant 0 : index
      %swap3A_36 = tpu.vector_load %arg5[%swap3A, %swap3A_35] {strides = array<i32>} : memref<5120x16xf32, #tpu.memory_space<vmem>>, vector<1x16xf32>,
      %swap3A_37 = vector.shape_cast %swap3A_36 : vector<1x16xf32> to vector<16xf32>
      %swap3A_38 = vector.shape_cast %broadcast_in_dim3A_32 : vector<16xf32> to vector<1x16xf32>
      tpu.vector_store %arg5[%swap3A, %swap3A_35], %swap3A_38 {strides = array<i32>} : memref<5120x16xf32, #tpu.memory_space<vmem>>, vector<1x16xf32>,
    }
    %scan3A_13 = arith.constant 120 : i32
    %mul3A_14 = arith.constant 632 : i32
    %mul3A_15 = arith.muli %arg1, %mul3A_14 : i32
    "tpu.region"() ({
      %run_scoped3A = tpu.sem_alloc : memref<!tpu.dma_semaphore, #tpu.memory_space<semaphore_mem>>
      %dma_start3A = arith.constant 0 : i32
      %dma_start3A_31 = tpu.memref_slice %arg8[%mul3A_15, %dma_start3A] : memref<10112x16xf32, #tpu.memory_space<vmem_shared>> -> memref<632x16xf32, #tpu.memory_space<vmem_shared>>
      %dma_start3A_32 = arith.constant 0 : i32
      %dma_start3A_33 = tpu.memref_slice %arg8[%mul3A_15, %dma_start3A_32] : memref<10112x16xf32, #tpu.memory_space<vmem_shared>> -> memref<632x16xf32, #tpu.memory_space<vmem_shared>>
      tpu.enqueue_dma source(%arg7 : memref<632x16xf32, #tpu.memory_space<vmem>>) target(%dma_start3A_33 : memref<632x16xf32, #tpu.memory_space<vmem_shared>>) target_semaphore(%run_scoped3A : memref<!tpu.dma_semaphore, #tpu.memory_space<semaphore_mem>>)
      %dma_wait3A = arith.constant 0 : i32
      %dma_wait3A_34 = tpu.memref_slice %arg8[%mul3A_15, %dma_wait3A] : memref<10112x16xf32, #tpu.memory_space<vmem_shared>> -> memref<632x16xf32, #tpu.memory_space<vmem_shared>>
      %dma_wait3A_35 = arith.constant 0 : i32
      %dma_wait3A_36 = tpu.memref_slice %arg8[%mul3A_15, %dma_wait3A_35] : memref<10112x16xf32, #tpu.memory_space<vmem_shared>> -> memref<632x16xf32, #tpu.memory_space<vmem_shared>>
      tpu.wait_dma2 semaphore(%run_scoped3A : memref<!tpu.dma_semaphore, #tpu.memory_space<semaphore_mem>>) src(%arg7 : memref<632x16xf32, #tpu.memory_space<vmem>>) dst(%dma_wait3A_36 : memref<632x16xf32, #tpu.memory_space<vmem_shared>>)
      tpu.yield
    }) : () -> ()
    %barrier3A = arith.constant 0 : index
    tpu.barrier barrier_id(%barrier3A)
    %scan3A_16 = arith.constant 0 : i32
    %scan3A_17 = arith.constant 0 : i32
    %scan3A_18 = arith.constant 40 : i32
    %scan3A_19 = arith.addi %scan3A_17, %scan3A_18 : i32
    %scan3A_20 = arith.constant 1 : i32
    scf.for %scan3A_31 = %scan3A_17 to %scan3A_19 step %scan3A_20  : i32 {
      %mul3A_32 = arith.constant 128 : i32
      %mul3A_33 = arith.muli %scan3A_31, %mul3A_32 : i32
      %dma_start3A = arith.constant 0 : i32
      %dma_start3A_34 = tpu.memref_slice %arg5[%mul3A_33, %dma_start3A] : memref<5120x16xf32, #tpu.memory_space<vmem>> -> memref<128x16xf32, #tpu.memory_space<vmem>>
      %dma_start3A_35 = arith.constant 0 : i32
      %dma_start3A_36 = tpu.memref_slice %arg6[%scan3A_31, %dma_start3A_35] : memref<40x128xi32, #tpu.memory_space<vmem>> -> memref<1x128xi32, #tpu.memory_space<vmem>>
      %dma_start3A_37 = tpu.memref_squeeze %dma_start3A_36 : memref<1x128xi32, #tpu.memory_space<vmem>> -> memref<128xi32, #tpu.memory_space<vmem>>
      %dma_start3A_38 = arith.constant 0 : i32
      %dma_start3A_39 = arith.constant 0 : i32
      %dma_start3A_40 = tpu.memref_slice %arg8[%dma_start3A_38, %dma_start3A_39] : memref<10112x16xf32, #tpu.memory_space<vmem_shared>> -> memref<10112x16xf32, #tpu.memory_space<vmem_shared>>
      tpu.enqueue_indirect_dma source(%dma_start3A_34 : memref<128x16xf32, #tpu.memory_space<vmem>>) target(%dma_start3A_40 : memref<10112x16xf32, #tpu.memory_space<vmem_shared>>) offsets(%dma_start3A_37 : memref<128xi32, #tpu.memory_space<vmem>>) semaphore(%arg9 : memref<!tpu.dma_semaphore, #tpu.memory_space<semaphore_mem>>) {add = true}
    }
    %scan3A_21 = arith.constant 40 : i32
    %scan3A_22 = arith.constant 0 : i32
    %scan3A_23 = arith.constant 0 : i32
    %scan3A_24 = arith.constant 40 : i32
    %scan3A_25 = arith.addi %scan3A_23, %scan3A_24 : i32
    %scan3A_26 = arith.constant 1 : i32
    scf.for %scan3A_31 = %scan3A_23 to %scan3A_25 step %scan3A_26  : i32 {
      %mul3A_32 = arith.constant 128 : i32
      %mul3A_33 = arith.muli %scan3A_31, %mul3A_32 : i32
      %dma_wait3A = arith.constant 0 : i32
      %dma_wait3A_34 = tpu.memref_slice %arg5[%mul3A_33, %dma_wait3A] : memref<5120x16xf32, #tpu.memory_space<vmem>> -> memref<128x16xf32, #tpu.memory_space<vmem>>
      %dma_wait3A_35 = arith.constant 0 : i32
      %dma_wait3A_36 = tpu.memref_slice %arg6[%scan3A_31, %dma_wait3A_35] : memref<40x128xi32, #tpu.memory_space<vmem>> -> memref<1x128xi32, #tpu.memory_space<vmem>>
      %dma_wait3A_37 = tpu.memref_squeeze %dma_wait3A_36 : memref<1x128xi32, #tpu.memory_space<vmem>> -> memref<128xi32, #tpu.memory_space<vmem>>
      %dma_wait3A_38 = arith.constant 0 : i32
      %dma_wait3A_39 = arith.constant 0 : i32
      %dma_wait3A_40 = tpu.memref_slice %arg8[%dma_wait3A_38, %dma_wait3A_39] : memref<10112x16xf32, #tpu.memory_space<vmem_shared>> -> memref<10112x16xf32, #tpu.memory_space<vmem_shared>>
      tpu.wait_indirect_dma semaphore(%arg9 : memref<!tpu.dma_semaphore, #tpu.memory_space<semaphore_mem>>) src(%dma_wait3A_34 : memref<128x16xf32, #tpu.memory_space<vmem>>) dst(%dma_wait3A_40 : memref<10112x16xf32, #tpu.memory_space<vmem_shared>>)
    }
    %scan3A_27 = arith.constant 40 : i32
    %barrier3A_28 = arith.constant 0 : index
    tpu.barrier barrier_id(%barrier3A_28)
    %mul3A_29 = arith.constant 632 : i32
    %mul3A_30 = arith.muli %arg1, %mul3A_29 : i32
    "tpu.region"() ({
      %run_scoped3A = tpu.sem_alloc : memref<!tpu.dma_semaphore, #tpu.memory_space<semaphore_mem>>
      %dma_start3A = arith.constant 0 : i32
      %dma_start3A_31 = arith.constant 0 : i32
      %dma_start3A_32 = tpu.memref_slice %arg4[%arg0, %dma_start3A, %dma_start3A_31] : memref<2x10112x128xf32, #tpu.memory_space<hbm>> -> memref<1x10112x128xf32, #tpu.memory_space<hbm>>
      %dma_start3A_33 = tpu.memref_squeeze %dma_start3A_32 : memref<1x10112x128xf32, #tpu.memory_space<hbm>> -> memref<10112x128xf32, #tpu.memory_space<hbm>>
      %dma_start3A_34 = arith.constant 0 : i32
      %dma_start3A_35 = tpu.memref_slice %dma_start3A_33[%mul3A_30, %dma_start3A_34] : memref<10112x128xf32, #tpu.memory_space<hbm>> -> memref<632x16xf32, #tpu.memory_space<hbm>>
      %dma_start3A_36 = arith.constant 0 : i32
      %dma_start3A_37 = tpu.memref_slice %arg8[%mul3A_30, %dma_start3A_36] : memref<10112x16xf32, #tpu.memory_space<vmem_shared>> -> memref<632x16xf32, #tpu.memory_space<vmem_shared>>
      tpu.enqueue_dma source(%dma_start3A_37 : memref<632x16xf32, #tpu.memory_space<vmem_shared>>) target(%dma_start3A_35 : memref<632x16xf32, #tpu.memory_space<hbm>>) target_semaphore(%run_scoped3A : memref<!tpu.dma_semaphore, #tpu.memory_space<semaphore_mem>>)
      %dma_wait3A = arith.constant 0 : i32
      %dma_wait3A_38 = arith.constant 0 : i32
      %dma_wait3A_39 = tpu.memref_slice %arg4[%arg0, %dma_wait3A, %dma_wait3A_38] : memref<2x10112x128xf32, #tpu.memory_space<hbm>> -> memref<1x10112x128xf32, #tpu.memory_space<hbm>>
      %dma_wait3A_40 = tpu.memref_squeeze %dma_wait3A_39 : memref<1x10112x128xf32, #tpu.memory_space<hbm>> -> memref<10112x128xf32, #tpu.memory_space<hbm>>
      %dma_wait3A_41 = arith.constant 0 : i32
      %dma_wait3A_42 = tpu.memref_slice %dma_wait3A_40[%mul3A_30, %dma_wait3A_41] : memref<10112x128xf32, #tpu.memory_space<hbm>> -> memref<632x16xf32, #tpu.memory_space<hbm>>
      %dma_wait3A_43 = arith.constant 0 : i32
      %dma_wait3A_44 = tpu.memref_slice %arg8[%mul3A_30, %dma_wait3A_43] : memref<10112x16xf32, #tpu.memory_space<vmem_shared>> -> memref<632x16xf32, #tpu.memory_space<vmem_shared>>
      tpu.wait_dma2 semaphore(%run_scoped3A : memref<!tpu.dma_semaphore, #tpu.memory_space<semaphore_mem>>) src(%dma_wait3A_44 : memref<632x16xf32, #tpu.memory_space<vmem_shared>>) dst(%dma_wait3A_42 : memref<632x16xf32, #tpu.memory_space<hbm>>)
      tpu.yield
    }) : () -> ()
    return
  }
}

#map = affine_map<(d0, d1) -> (0, 0)>
#map1 = affine_map<(d0, d1) -> (0, 0, 0)>
module attributes {stable_mosaic.version = 14 : i64} {
  func.func @_sc_gather(%arg0: i32, %arg1: i32, %arg2: memref<10000x16xf32, #tpu.memory_space<hbm>>, %arg3: memref<32x40x128xi32, #tpu.memory_space<hbm>>, %arg4: memref<160000x128xf32, #tpu.memory_space<hbm>>, %arg5: memref<40x128xi32, #tpu.memory_space<vmem>>, %arg6: memref<5120x16xf32, #tpu.memory_space<vmem>>, %arg7: memref<!tpu.dma_semaphore, #tpu.memory_space<semaphore_mem>>) attributes {dimension_semantics = [#tpu.dimension_semantics<core_parallel>, #tpu.dimension_semantics<subcore_parallel>], iteration_bounds = array<i64: 2, 16>, scalar_prefetch = 0 : i64, scratch_operands = 3 : i64, tpu.core_type = #tpu.core_type<sc_vector_subcore>, window_params = [{transform_indices = #map}, {transform_indices = #map1}, {transform_indices = #map}]} {
    %mul3A = arith.constant 2 : i32
    %mul3A_0 = arith.muli %arg1, %mul3A : i32
    %add3A = arith.addi %mul3A_0, %arg0 : i32
    "tpu.region"() ({
      %run_scoped3A = tpu.sem_alloc : memref<!tpu.dma_semaphore, #tpu.memory_space<semaphore_mem>>
      %dma_start3A = arith.constant 0 : i32
      %dma_start3A_14 = arith.constant 0 : i32
      %dma_start3A_15 = tpu.memref_slice %arg3[%add3A, %dma_start3A, %dma_start3A_14] : memref<32x40x128xi32, #tpu.memory_space<hbm>> -> memref<1x40x128xi32, #tpu.memory_space<hbm>>
      %dma_start3A_16 = tpu.memref_squeeze %dma_start3A_15 : memref<1x40x128xi32, #tpu.memory_space<hbm>> -> memref<40x128xi32, #tpu.memory_space<hbm>>
      %dma_start3A_17 = arith.constant 0 : i32
      %dma_start3A_18 = arith.constant 0 : i32
      %dma_start3A_19 = tpu.memref_slice %arg3[%add3A, %dma_start3A_17, %dma_start3A_18] : memref<32x40x128xi32, #tpu.memory_space<hbm>> -> memref<1x40x128xi32, #tpu.memory_space<hbm>>
      %dma_start3A_20 = tpu.memref_squeeze %dma_start3A_19 : memref<1x40x128xi32, #tpu.memory_space<hbm>> -> memref<40x128xi32, #tpu.memory_space<hbm>>
      tpu.enqueue_dma source(%dma_start3A_20 : memref<40x128xi32, #tpu.memory_space<hbm>>) target(%arg5 : memref<40x128xi32, #tpu.memory_space<vmem>>) target_semaphore(%run_scoped3A : memref<!tpu.dma_semaphore, #tpu.memory_space<semaphore_mem>>)
      %dma_wait3A = arith.constant 0 : i32
      %dma_wait3A_21 = arith.constant 0 : i32
      %dma_wait3A_22 = tpu.memref_slice %arg3[%add3A, %dma_wait3A, %dma_wait3A_21] : memref<32x40x128xi32, #tpu.memory_space<hbm>> -> memref<1x40x128xi32, #tpu.memory_space<hbm>>
      %dma_wait3A_23 = tpu.memref_squeeze %dma_wait3A_22 : memref<1x40x128xi32, #tpu.memory_space<hbm>> -> memref<40x128xi32, #tpu.memory_space<hbm>>
      %dma_wait3A_24 = arith.constant 0 : i32
      %dma_wait3A_25 = arith.constant 0 : i32
      %dma_wait3A_26 = tpu.memref_slice %arg3[%add3A, %dma_wait3A_24, %dma_wait3A_25] : memref<32x40x128xi32, #tpu.memory_space<hbm>> -> memref<1x40x128xi32, #tpu.memory_space<hbm>>
      %dma_wait3A_27 = tpu.memref_squeeze %dma_wait3A_26 : memref<1x40x128xi32, #tpu.memory_space<hbm>> -> memref<40x128xi32, #tpu.memory_space<hbm>>
      tpu.wait_dma2 semaphore(%run_scoped3A : memref<!tpu.dma_semaphore, #tpu.memory_space<semaphore_mem>>) src(%dma_wait3A_27 : memref<40x128xi32, #tpu.memory_space<hbm>>) dst(%arg5 : memref<40x128xi32, #tpu.memory_space<vmem>>)
      tpu.yield
    }) : () -> ()
    %scan3A = arith.constant 0 : i32
    %scan3A_1 = arith.constant 0 : i32
    %scan3A_2 = arith.constant 40 : i32
    %scan3A_3 = arith.addi %scan3A_1, %scan3A_2 : i32
    %scan3A_4 = arith.constant 1 : i32
    scf.for %scan3A_14 = %scan3A_1 to %scan3A_3 step %scan3A_4  : i32 {
      %mul3A_15 = arith.constant 128 : i32
      %mul3A_16 = arith.muli %scan3A_14, %mul3A_15 : i32
      %dma_start3A = arith.constant 0 : i32
      %dma_start3A_17 = tpu.memref_slice %arg6[%mul3A_16, %dma_start3A] : memref<5120x16xf32, #tpu.memory_space<vmem>> -> memref<128x16xf32, #tpu.memory_space<vmem>>
      %dma_start3A_18 = arith.constant 0 : i32
      %dma_start3A_19 = tpu.memref_slice %arg5[%scan3A_14, %dma_start3A_18] : memref<40x128xi32, #tpu.memory_space<vmem>> -> memref<1x128xi32, #tpu.memory_space<vmem>>
      %dma_start3A_20 = tpu.memref_squeeze %dma_start3A_19 : memref<1x128xi32, #tpu.memory_space<vmem>> -> memref<128xi32, #tpu.memory_space<vmem>>
      %dma_start3A_21 = arith.constant 0 : i32
      %dma_start3A_22 = arith.constant 0 : i32
      %dma_start3A_23 = tpu.memref_slice %arg2[%dma_start3A_21, %dma_start3A_22] : memref<10000x16xf32, #tpu.memory_space<hbm>> -> memref<10000x16xf32, #tpu.memory_space<hbm>>
      tpu.enqueue_indirect_dma source(%dma_start3A_23 : memref<10000x16xf32, #tpu.memory_space<hbm>>) target(%dma_start3A_17 : memref<128x16xf32, #tpu.memory_space<vmem>>) offsets(%dma_start3A_20 : memref<128xi32, #tpu.memory_space<vmem>>) semaphore(%arg7 : memref<!tpu.dma_semaphore, #tpu.memory_space<semaphore_mem>>)
    }
    %scan3A_5 = arith.constant 40 : i32
    %scan3A_6 = arith.constant 0 : i32
    %scan3A_7 = arith.constant 0 : i32
    %scan3A_8 = arith.constant 40 : i32
    %scan3A_9 = arith.addi %scan3A_7, %scan3A_8 : i32
    %scan3A_10 = arith.constant 1 : i32
    scf.for %scan3A_14 = %scan3A_7 to %scan3A_9 step %scan3A_10  : i32 {
      %mul3A_15 = arith.constant 128 : i32
      %mul3A_16 = arith.muli %scan3A_14, %mul3A_15 : i32
      %dma_wait3A = arith.constant 0 : i32
      %dma_wait3A_17 = tpu.memref_slice %arg6[%mul3A_16, %dma_wait3A] : memref<5120x16xf32, #tpu.memory_space<vmem>> -> memref<128x16xf32, #tpu.memory_space<vmem>>
      %dma_wait3A_18 = arith.constant 0 : i32
      %dma_wait3A_19 = tpu.memref_slice %arg5[%scan3A_14, %dma_wait3A_18] : memref<40x128xi32, #tpu.memory_space<vmem>> -> memref<1x128xi32, #tpu.memory_space<vmem>>
      %dma_wait3A_20 = tpu.memref_squeeze %dma_wait3A_19 : memref<1x128xi32, #tpu.memory_space<vmem>> -> memref<128xi32, #tpu.memory_space<vmem>>
      %dma_wait3A_21 = arith.constant 0 : i32
      %dma_wait3A_22 = arith.constant 0 : i32
      %dma_wait3A_23 = tpu.memref_slice %arg2[%dma_wait3A_21, %dma_wait3A_22] : memref<10000x16xf32, #tpu.memory_space<hbm>> -> memref<10000x16xf32, #tpu.memory_space<hbm>>
      tpu.wait_indirect_dma semaphore(%arg7 : memref<!tpu.dma_semaphore, #tpu.memory_space<semaphore_mem>>) src(%dma_wait3A_23 : memref<10000x16xf32, #tpu.memory_space<hbm>>) dst(%dma_wait3A_17 : memref<128x16xf32, #tpu.memory_space<vmem>>)
    }
    %scan3A_11 = arith.constant 40 : i32
    %mul3A_12 = arith.constant 5000 : i32
    %mul3A_13 = arith.muli %add3A, %mul3A_12 : i32
    "tpu.region"() ({
      %run_scoped3A = tpu.sem_alloc : memref<!tpu.dma_semaphore, #tpu.memory_space<semaphore_mem>>
      %dma_start3A = arith.constant 0 : i32
      %dma_start3A_14 = arith.constant 0 : i32
      %dma_start3A_15 = tpu.memref_slice %arg6[%dma_start3A, %dma_start3A_14] : memref<5120x16xf32, #tpu.memory_space<vmem>> -> memref<5000x16xf32, #tpu.memory_space<vmem>>
      %dma_start3A_16 = arith.constant 0 : i32
      %dma_start3A_17 = tpu.memref_slice %arg4[%mul3A_13, %dma_start3A_16] : memref<160000x128xf32, #tpu.memory_space<hbm>> -> memref<5000x16xf32, #tpu.memory_space<hbm>>
      %dma_start3A_18 = arith.constant 0 : i32
      %dma_start3A_19 = tpu.memref_slice %arg4[%mul3A_13, %dma_start3A_18] : memref<160000x128xf32, #tpu.memory_space<hbm>> -> memref<5000x16xf32, #tpu.memory_space<hbm>>
      %dma_start3A_20 = arith.constant 0 : i32
      %dma_start3A_21 = arith.constant 0 : i32
      %dma_start3A_22 = tpu.memref_slice %arg6[%dma_start3A_20, %dma_start3A_21] : memref<5120x16xf32, #tpu.memory_space<vmem>> -> memref<5000x16xf32, #tpu.memory_space<vmem>>
      tpu.enqueue_dma source(%dma_start3A_22 : memref<5000x16xf32, #tpu.memory_space<vmem>>) target(%dma_start3A_19 : memref<5000x16xf32, #tpu.memory_space<hbm>>) target_semaphore(%run_scoped3A : memref<!tpu.dma_semaphore, #tpu.memory_space<semaphore_mem>>)
      %dma_wait3A = arith.constant 0 : i32
      %dma_wait3A_23 = arith.constant 0 : i32
      %dma_wait3A_24 = tpu.memref_slice %arg6[%dma_wait3A, %dma_wait3A_23] : memref<5120x16xf32, #tpu.memory_space<vmem>> -> memref<5000x16xf32, #tpu.memory_space<vmem>>
      %dma_wait3A_25 = arith.constant 0 : i32
      %dma_wait3A_26 = tpu.memref_slice %arg4[%mul3A_13, %dma_wait3A_25] : memref<160000x128xf32, #tpu.memory_space<hbm>> -> memref<5000x16xf32, #tpu.memory_space<hbm>>
      %dma_wait3A_27 = arith.constant 0 : i32
      %dma_wait3A_28 = tpu.memref_slice %arg4[%mul3A_13, %dma_wait3A_27] : memref<160000x128xf32, #tpu.memory_space<hbm>> -> memref<5000x16xf32, #tpu.memory_space<hbm>>
      %dma_wait3A_29 = arith.constant 0 : i32
      %dma_wait3A_30 = arith.constant 0 : i32
      %dma_wait3A_31 = tpu.memref_slice %arg6[%dma_wait3A_29, %dma_wait3A_30] : memref<5120x16xf32, #tpu.memory_space<vmem>> -> memref<5000x16xf32, #tpu.memory_space<vmem>>
      tpu.wait_dma2 semaphore(%run_scoped3A : memref<!tpu.dma_semaphore, #tpu.memory_space<semaphore_mem>>) src(%dma_wait3A_31 : memref<5000x16xf32, #tpu.memory_space<vmem>>) dst(%dma_wait3A_28 : memref<5000x16xf32, #tpu.memory_space<hbm>>)
      tpu.yield
    }) : () -> ()
    return
  }
}

#map = affine_map<(d0, d1) -> (0, 0)>
#map1 = affine_map<(d0, d1) -> (0, 0, 0)>
module attributes {stable_mosaic.version = 14 : i64} {
  func.func @_sc_scatter_cnt(%arg0: i32, %arg1: i32, %arg2: memref<160000x128xf32, #tpu.memory_space<hbm>>, %arg3: memref<32x40x128xi32, #tpu.memory_space<hbm>>, %arg4: memref<2x10112x128xf32, #tpu.memory_space<hbm>>, %arg5: memref<2x10112x128xf32, #tpu.memory_space<hbm>>, %arg6: memref<5120x16xf32, #tpu.memory_space<vmem>>, %arg7: memref<40x128xi32, #tpu.memory_space<vmem>>, %arg8: memref<128x16xf32, #tpu.memory_space<vmem>>, %arg9: memref<632x16xf32, #tpu.memory_space<vmem>>, %arg10: memref<10112x16xf32, #tpu.memory_space<vmem_shared>>, %arg11: memref<10112x16xf32, #tpu.memory_space<vmem_shared>>, %arg12: memref<!tpu.dma_semaphore, #tpu.memory_space<semaphore_mem>>) attributes {dimension_semantics = [#tpu.dimension_semantics<core_parallel>, #tpu.dimension_semantics<subcore_parallel>], iteration_bounds = array<i64: 2, 16>, scalar_prefetch = 0 : i64, scratch_operands = 7 : i64, tpu.core_type = #tpu.core_type<sc_vector_subcore>, window_params = [{transform_indices = #map}, {transform_indices = #map1}, {transform_indices = #map1}, {transform_indices = #map1}]} {
    %mul3A = arith.constant 2 : i32
    %mul3A_0 = arith.muli %arg1, %mul3A : i32
    %add3A = arith.addi %mul3A_0, %arg0 : i32
    %mul3A_1 = arith.constant 5000 : i32
    %mul3A_2 = arith.muli %add3A, %mul3A_1 : i32
    "tpu.region"() ({
      %run_scoped3A = tpu.sem_alloc : memref<!tpu.dma_semaphore, #tpu.memory_space<semaphore_mem>>
      %dma_start3A = arith.constant 0 : i32
      %dma_start3A_39 = arith.constant 0 : i32
      %dma_start3A_40 = tpu.memref_slice %arg6[%dma_start3A, %dma_start3A_39] : memref<5120x16xf32, #tpu.memory_space<vmem>> -> memref<5000x16xf32, #tpu.memory_space<vmem>>
      %dma_start3A_41 = arith.constant 0 : i32
      %dma_start3A_42 = tpu.memref_slice %arg2[%mul3A_2, %dma_start3A_41] : memref<160000x128xf32, #tpu.memory_space<hbm>> -> memref<5000x16xf32, #tpu.memory_space<hbm>>
      %dma_start3A_43 = arith.constant 0 : i32
      %dma_start3A_44 = arith.constant 0 : i32
      %dma_start3A_45 = tpu.memref_slice %arg6[%dma_start3A_43, %dma_start3A_44] : memref<5120x16xf32, #tpu.memory_space<vmem>> -> memref<5000x16xf32, #tpu.memory_space<vmem>>
      %dma_start3A_46 = arith.constant 0 : i32
      %dma_start3A_47 = tpu.memref_slice %arg2[%mul3A_2, %dma_start3A_46] : memref<160000x128xf32, #tpu.memory_space<hbm>> -> memref<5000x16xf32, #tpu.memory_space<hbm>>
      tpu.enqueue_dma source(%dma_start3A_47 : memref<5000x16xf32, #tpu.memory_space<hbm>>) target(%dma_start3A_45 : memref<5000x16xf32, #tpu.memory_space<vmem>>) target_semaphore(%run_scoped3A : memref<!tpu.dma_semaphore, #tpu.memory_space<semaphore_mem>>)
      %dma_wait3A = arith.constant 0 : i32
      %dma_wait3A_48 = arith.constant 0 : i32
      %dma_wait3A_49 = tpu.memref_slice %arg6[%dma_wait3A, %dma_wait3A_48] : memref<5120x16xf32, #tpu.memory_space<vmem>> -> memref<5000x16xf32, #tpu.memory_space<vmem>>
      %dma_wait3A_50 = arith.constant 0 : i32
      %dma_wait3A_51 = tpu.memref_slice %arg2[%mul3A_2, %dma_wait3A_50] : memref<160000x128xf32, #tpu.memory_space<hbm>> -> memref<5000x16xf32, #tpu.memory_space<hbm>>
      %dma_wait3A_52 = arith.constant 0 : i32
      %dma_wait3A_53 = arith.constant 0 : i32
      %dma_wait3A_54 = tpu.memref_slice %arg6[%dma_wait3A_52, %dma_wait3A_53] : memref<5120x16xf32, #tpu.memory_space<vmem>> -> memref<5000x16xf32, #tpu.memory_space<vmem>>
      %dma_wait3A_55 = arith.constant 0 : i32
      %dma_wait3A_56 = tpu.memref_slice %arg2[%mul3A_2, %dma_wait3A_55] : memref<160000x128xf32, #tpu.memory_space<hbm>> -> memref<5000x16xf32, #tpu.memory_space<hbm>>
      tpu.wait_dma2 semaphore(%run_scoped3A : memref<!tpu.dma_semaphore, #tpu.memory_space<semaphore_mem>>) src(%dma_wait3A_56 : memref<5000x16xf32, #tpu.memory_space<hbm>>) dst(%dma_wait3A_54 : memref<5000x16xf32, #tpu.memory_space<vmem>>)
      tpu.yield
    }) : () -> ()
    "tpu.region"() ({
      %run_scoped3A = tpu.sem_alloc : memref<!tpu.dma_semaphore, #tpu.memory_space<semaphore_mem>>
      %dma_start3A = arith.constant 0 : i32
      %dma_start3A_39 = arith.constant 0 : i32
      %dma_start3A_40 = tpu.memref_slice %arg3[%add3A, %dma_start3A, %dma_start3A_39] : memref<32x40x128xi32, #tpu.memory_space<hbm>> -> memref<1x40x128xi32, #tpu.memory_space<hbm>>
      %dma_start3A_41 = tpu.memref_squeeze %dma_start3A_40 : memref<1x40x128xi32, #tpu.memory_space<hbm>> -> memref<40x128xi32, #tpu.memory_space<hbm>>
      %dma_start3A_42 = arith.constant 0 : i32
      %dma_start3A_43 = arith.constant 0 : i32
      %dma_start3A_44 = tpu.memref_slice %arg3[%add3A, %dma_start3A_42, %dma_start3A_43] : memref<32x40x128xi32, #tpu.memory_space<hbm>> -> memref<1x40x128xi32, #tpu.memory_space<hbm>>
      %dma_start3A_45 = tpu.memref_squeeze %dma_start3A_44 : memref<1x40x128xi32, #tpu.memory_space<hbm>> -> memref<40x128xi32, #tpu.memory_space<hbm>>
      tpu.enqueue_dma source(%dma_start3A_45 : memref<40x128xi32, #tpu.memory_space<hbm>>) target(%arg7 : memref<40x128xi32, #tpu.memory_space<vmem>>) target_semaphore(%run_scoped3A : memref<!tpu.dma_semaphore, #tpu.memory_space<semaphore_mem>>)
      %dma_wait3A = arith.constant 0 : i32
      %dma_wait3A_46 = arith.constant 0 : i32
      %dma_wait3A_47 = tpu.memref_slice %arg3[%add3A, %dma_wait3A, %dma_wait3A_46] : memref<32x40x128xi32, #tpu.memory_space<hbm>> -> memref<1x40x128xi32, #tpu.memory_space<hbm>>
      %dma_wait3A_48 = tpu.memref_squeeze %dma_wait3A_47 : memref<1x40x128xi32, #tpu.memory_space<hbm>> -> memref<40x128xi32, #tpu.memory_space<hbm>>
      %dma_wait3A_49 = arith.constant 0 : i32
      %dma_wait3A_50 = arith.constant 0 : i32
      %dma_wait3A_51 = tpu.memref_slice %arg3[%add3A, %dma_wait3A_49, %dma_wait3A_50] : memref<32x40x128xi32, #tpu.memory_space<hbm>> -> memref<1x40x128xi32, #tpu.memory_space<hbm>>
      %dma_wait3A_52 = tpu.memref_squeeze %dma_wait3A_51 : memref<1x40x128xi32, #tpu.memory_space<hbm>> -> memref<40x128xi32, #tpu.memory_space<hbm>>
      tpu.wait_dma2 semaphore(%run_scoped3A : memref<!tpu.dma_semaphore, #tpu.memory_space<semaphore_mem>>) src(%dma_wait3A_52 : memref<40x128xi32, #tpu.memory_space<hbm>>) dst(%arg7 : memref<40x128xi32, #tpu.memory_space<vmem>>)
      tpu.yield
    }) : () -> ()
    %scan3A = arith.constant 0 : i32
    %scan3A_3 = arith.constant 0 : i32
    %scan3A_4 = arith.constant 632 : i32
    %scan3A_5 = arith.addi %scan3A_3, %scan3A_4 : i32
    %scan3A_6 = arith.constant 1 : i32
    scf.for %scan3A_39 = %scan3A_3 to %scan3A_5 step %scan3A_6  : i32 {
      %broadcast_in_dim3A = arith.constant 0.000000e+00 : f32
      %broadcast_in_dim3A_40 = vector.broadcast %broadcast_in_dim3A : f32 to vector<16xf32>
      %swap3A = arith.index_cast %scan3A_39 : i32 to index
      %swap3A_41 = arith.constant 0 : index
      %swap3A_42 = tpu.vector_load %arg9[%swap3A, %swap3A_41] {strides = array<i32>} : memref<632x16xf32, #tpu.memory_space<vmem>>, vector<1x16xf32>,
      %swap3A_43 = vector.shape_cast %swap3A_42 : vector<1x16xf32> to vector<16xf32>
      %swap3A_44 = vector.shape_cast %broadcast_in_dim3A_40 : vector<16xf32> to vector<1x16xf32>
      tpu.vector_store %arg9[%swap3A, %swap3A_41], %swap3A_44 {strides = array<i32>} : memref<632x16xf32, #tpu.memory_space<vmem>>, vector<1x16xf32>,
    }
    %scan3A_7 = arith.constant 632 : i32
    %scan3A_8 = arith.constant 0 : i32
    %scan3A_9 = arith.constant 0 : i32
    %scan3A_10 = arith.constant 120 : i32
    %scan3A_11 = arith.addi %scan3A_9, %scan3A_10 : i32
    %scan3A_12 = arith.constant 1 : i32
    scf.for %scan3A_39 = %scan3A_9 to %scan3A_11 step %scan3A_12  : i32 {
      %broadcast_in_dim3A = arith.constant 0.000000e+00 : f32
      %broadcast_in_dim3A_40 = vector.broadcast %broadcast_in_dim3A : f32 to vector<16xf32>
      %add3A_41 = arith.constant 5000 : i32
      %add3A_42 = arith.addi %add3A_41, %scan3A_39 : i32
      %swap3A = arith.index_cast %add3A_42 : i32 to index
      %swap3A_43 = arith.constant 0 : index
      %swap3A_44 = tpu.vector_load %arg6[%swap3A, %swap3A_43] {strides = array<i32>} : memref<5120x16xf32, #tpu.memory_space<vmem>>, vector<1x16xf32>,
      %swap3A_45 = vector.shape_cast %swap3A_44 : vector<1x16xf32> to vector<16xf32>
      %swap3A_46 = vector.shape_cast %broadcast_in_dim3A_40 : vector<16xf32> to vector<1x16xf32>
      tpu.vector_store %arg6[%swap3A, %swap3A_43], %swap3A_46 {strides = array<i32>} : memref<5120x16xf32, #tpu.memory_space<vmem>>, vector<1x16xf32>,
    }
    %scan3A_13 = arith.constant 120 : i32
    %mul3A_14 = arith.constant 632 : i32
    %mul3A_15 = arith.muli %arg1, %mul3A_14 : i32
    "tpu.region"() ({
      %run_scoped3A = tpu.sem_alloc : memref<!tpu.dma_semaphore, #tpu.memory_space<semaphore_mem>>
      %dma_start3A = arith.constant 0 : i32
      %dma_start3A_39 = tpu.memref_slice %arg10[%mul3A_15, %dma_start3A] : memref<10112x16xf32, #tpu.memory_space<vmem_shared>> -> memref<632x16xf32, #tpu.memory_space<vmem_shared>>
      %dma_start3A_40 = arith.constant 0 : i32
      %dma_start3A_41 = tpu.memref_slice %arg10[%mul3A_15, %dma_start3A_40] : memref<10112x16xf32, #tpu.memory_space<vmem_shared>> -> memref<632x16xf32, #tpu.memory_space<vmem_shared>>
      tpu.enqueue_dma source(%arg9 : memref<632x16xf32, #tpu.memory_space<vmem>>) target(%dma_start3A_41 : memref<632x16xf32, #tpu.memory_space<vmem_shared>>) target_semaphore(%run_scoped3A : memref<!tpu.dma_semaphore, #tpu.memory_space<semaphore_mem>>)
      %dma_wait3A = arith.constant 0 : i32
      %dma_wait3A_42 = tpu.memref_slice %arg10[%mul3A_15, %dma_wait3A] : memref<10112x16xf32, #tpu.memory_space<vmem_shared>> -> memref<632x16xf32, #tpu.memory_space<vmem_shared>>
      %dma_wait3A_43 = arith.constant 0 : i32
      %dma_wait3A_44 = tpu.memref_slice %arg10[%mul3A_15, %dma_wait3A_43] : memref<10112x16xf32, #tpu.memory_space<vmem_shared>> -> memref<632x16xf32, #tpu.memory_space<vmem_shared>>
      tpu.wait_dma2 semaphore(%run_scoped3A : memref<!tpu.dma_semaphore, #tpu.memory_space<semaphore_mem>>) src(%arg9 : memref<632x16xf32, #tpu.memory_space<vmem>>) dst(%dma_wait3A_44 : memref<632x16xf32, #tpu.memory_space<vmem_shared>>)
      tpu.yield
    }) : () -> ()
    %scan3A_16 = arith.constant 0 : i32
    %scan3A_17 = arith.constant 0 : i32
    %scan3A_18 = arith.constant 128 : i32
    %scan3A_19 = arith.addi %scan3A_17, %scan3A_18 : i32
    %scan3A_20 = arith.constant 1 : i32
    scf.for %scan3A_39 = %scan3A_17 to %scan3A_19 step %scan3A_20  : i32 {
      %broadcast_in_dim3A = arith.constant 1.000000e+00 : f32
      %broadcast_in_dim3A_40 = vector.broadcast %broadcast_in_dim3A : f32 to vector<16xf32>
      %swap3A = arith.index_cast %scan3A_39 : i32 to index
      %swap3A_41 = arith.constant 0 : index
      %swap3A_42 = tpu.vector_load %arg8[%swap3A, %swap3A_41] {strides = array<i32>} : memref<128x16xf32, #tpu.memory_space<vmem>>, vector<1x16xf32>,
      %swap3A_43 = vector.shape_cast %swap3A_42 : vector<1x16xf32> to vector<16xf32>
      %swap3A_44 = vector.shape_cast %broadcast_in_dim3A_40 : vector<16xf32> to vector<1x16xf32>
      tpu.vector_store %arg8[%swap3A, %swap3A_41], %swap3A_44 {strides = array<i32>} : memref<128x16xf32, #tpu.memory_space<vmem>>, vector<1x16xf32>,
    }
    %scan3A_21 = arith.constant 128 : i32
    %mul3A_22 = arith.constant 632 : i32
    %mul3A_23 = arith.muli %arg1, %mul3A_22 : i32
    "tpu.region"() ({
      %run_scoped3A = tpu.sem_alloc : memref<!tpu.dma_semaphore, #tpu.memory_space<semaphore_mem>>
      %dma_start3A = arith.constant 0 : i32
      %dma_start3A_39 = tpu.memref_slice %arg11[%mul3A_23, %dma_start3A] : memref<10112x16xf32, #tpu.memory_space<vmem_shared>> -> memref<632x16xf32, #tpu.memory_space<vmem_shared>>
      %dma_start3A_40 = arith.constant 0 : i32
      %dma_start3A_41 = tpu.memref_slice %arg11[%mul3A_23, %dma_start3A_40] : memref<10112x16xf32, #tpu.memory_space<vmem_shared>> -> memref<632x16xf32, #tpu.memory_space<vmem_shared>>
      tpu.enqueue_dma source(%arg9 : memref<632x16xf32, #tpu.memory_space<vmem>>) target(%dma_start3A_41 : memref<632x16xf32, #tpu.memory_space<vmem_shared>>) target_semaphore(%run_scoped3A : memref<!tpu.dma_semaphore, #tpu.memory_space<semaphore_mem>>)
      %dma_wait3A = arith.constant 0 : i32
      %dma_wait3A_42 = tpu.memref_slice %arg11[%mul3A_23, %dma_wait3A] : memref<10112x16xf32, #tpu.memory_space<vmem_shared>> -> memref<632x16xf32, #tpu.memory_space<vmem_shared>>
      %dma_wait3A_43 = arith.constant 0 : i32
      %dma_wait3A_44 = tpu.memref_slice %arg11[%mul3A_23, %dma_wait3A_43] : memref<10112x16xf32, #tpu.memory_space<vmem_shared>> -> memref<632x16xf32, #tpu.memory_space<vmem_shared>>
      tpu.wait_dma2 semaphore(%run_scoped3A : memref<!tpu.dma_semaphore, #tpu.memory_space<semaphore_mem>>) src(%arg9 : memref<632x16xf32, #tpu.memory_space<vmem>>) dst(%dma_wait3A_44 : memref<632x16xf32, #tpu.memory_space<vmem_shared>>)
      tpu.yield
    }) : () -> ()
    %barrier3A = arith.constant 0 : index
    tpu.barrier barrier_id(%barrier3A)
    %scan3A_24 = arith.constant 0 : i32
    %scan3A_25 = arith.constant 0 : i32
    %scan3A_26 = arith.constant 40 : i32
    %scan3A_27 = arith.addi %scan3A_25, %scan3A_26 : i32
    %scan3A_28 = arith.constant 1 : i32
    scf.for %scan3A_39 = %scan3A_25 to %scan3A_27 step %scan3A_28  : i32 {
      %mul3A_40 = arith.constant 128 : i32
      %mul3A_41 = arith.muli %scan3A_39, %mul3A_40 : i32
      %dma_start3A = arith.constant 0 : i32
      %dma_start3A_42 = tpu.memref_slice %arg6[%mul3A_41, %dma_start3A] : memref<5120x16xf32, #tpu.memory_space<vmem>> -> memref<128x16xf32, #tpu.memory_space<vmem>>
      %dma_start3A_43 = arith.constant 0 : i32
      %dma_start3A_44 = tpu.memref_slice %arg7[%scan3A_39, %dma_start3A_43] : memref<40x128xi32, #tpu.memory_space<vmem>> -> memref<1x128xi32, #tpu.memory_space<vmem>>
      %dma_start3A_45 = tpu.memref_squeeze %dma_start3A_44 : memref<1x128xi32, #tpu.memory_space<vmem>> -> memref<128xi32, #tpu.memory_space<vmem>>
      %dma_start3A_46 = arith.constant 0 : i32
      %dma_start3A_47 = arith.constant 0 : i32
      %dma_start3A_48 = tpu.memref_slice %arg10[%dma_start3A_46, %dma_start3A_47] : memref<10112x16xf32, #tpu.memory_space<vmem_shared>> -> memref<10112x16xf32, #tpu.memory_space<vmem_shared>>
      tpu.enqueue_indirect_dma source(%dma_start3A_42 : memref<128x16xf32, #tpu.memory_space<vmem>>) target(%dma_start3A_48 : memref<10112x16xf32, #tpu.memory_space<vmem_shared>>) offsets(%dma_start3A_45 : memref<128xi32, #tpu.memory_space<vmem>>) semaphore(%arg12 : memref<!tpu.dma_semaphore, #tpu.memory_space<semaphore_mem>>) {add = true}
      %dma_start3A_49 = arith.constant 0 : i32
      %dma_start3A_50 = tpu.memref_slice %arg7[%scan3A_39, %dma_start3A_49] : memref<40x128xi32, #tpu.memory_space<vmem>> -> memref<1x128xi32, #tpu.memory_space<vmem>>
      %dma_start3A_51 = tpu.memref_squeeze %dma_start3A_50 : memref<1x128xi32, #tpu.memory_space<vmem>> -> memref<128xi32, #tpu.memory_space<vmem>>
      %dma_start3A_52 = arith.constant 0 : i32
      %dma_start3A_53 = arith.constant 0 : i32
      %dma_start3A_54 = tpu.memref_slice %arg11[%dma_start3A_52, %dma_start3A_53] : memref<10112x16xf32, #tpu.memory_space<vmem_shared>> -> memref<10112x16xf32, #tpu.memory_space<vmem_shared>>
      tpu.enqueue_indirect_dma source(%arg8 : memref<128x16xf32, #tpu.memory_space<vmem>>) target(%dma_start3A_54 : memref<10112x16xf32, #tpu.memory_space<vmem_shared>>) offsets(%dma_start3A_51 : memref<128xi32, #tpu.memory_space<vmem>>) semaphore(%arg12 : memref<!tpu.dma_semaphore, #tpu.memory_space<semaphore_mem>>) {add = true}
    }
    %scan3A_29 = arith.constant 40 : i32
    %scan3A_30 = arith.constant 0 : i32
    %scan3A_31 = arith.constant 0 : i32
    %scan3A_32 = arith.constant 40 : i32
    %scan3A_33 = arith.addi %scan3A_31, %scan3A_32 : i32
    %scan3A_34 = arith.constant 1 : i32
    scf.for %scan3A_39 = %scan3A_31 to %scan3A_33 step %scan3A_34  : i32 {
      %mul3A_40 = arith.constant 128 : i32
      %mul3A_41 = arith.muli %scan3A_39, %mul3A_40 : i32
      %dma_wait3A = arith.constant 0 : i32
      %dma_wait3A_42 = tpu.memref_slice %arg6[%mul3A_41, %dma_wait3A] : memref<5120x16xf32, #tpu.memory_space<vmem>> -> memref<128x16xf32, #tpu.memory_space<vmem>>
      %dma_wait3A_43 = arith.constant 0 : i32
      %dma_wait3A_44 = tpu.memref_slice %arg7[%scan3A_39, %dma_wait3A_43] : memref<40x128xi32, #tpu.memory_space<vmem>> -> memref<1x128xi32, #tpu.memory_space<vmem>>
      %dma_wait3A_45 = tpu.memref_squeeze %dma_wait3A_44 : memref<1x128xi32, #tpu.memory_space<vmem>> -> memref<128xi32, #tpu.memory_space<vmem>>
      %dma_wait3A_46 = arith.constant 0 : i32
      %dma_wait3A_47 = arith.constant 0 : i32
      %dma_wait3A_48 = tpu.memref_slice %arg10[%dma_wait3A_46, %dma_wait3A_47] : memref<10112x16xf32, #tpu.memory_space<vmem_shared>> -> memref<10112x16xf32, #tpu.memory_space<vmem_shared>>
      tpu.wait_indirect_dma semaphore(%arg12 : memref<!tpu.dma_semaphore, #tpu.memory_space<semaphore_mem>>) src(%dma_wait3A_42 : memref<128x16xf32, #tpu.memory_space<vmem>>) dst(%dma_wait3A_48 : memref<10112x16xf32, #tpu.memory_space<vmem_shared>>)
      %dma_wait3A_49 = arith.constant 0 : i32
      %dma_wait3A_50 = tpu.memref_slice %arg7[%scan3A_39, %dma_wait3A_49] : memref<40x128xi32, #tpu.memory_space<vmem>> -> memref<1x128xi32, #tpu.memory_space<vmem>>
      %dma_wait3A_51 = tpu.memref_squeeze %dma_wait3A_50 : memref<1x128xi32, #tpu.memory_space<vmem>> -> memref<128xi32, #tpu.memory_space<vmem>>
      %dma_wait3A_52 = arith.constant 0 : i32
      %dma_wait3A_53 = arith.constant 0 : i32
      %dma_wait3A_54 = tpu.memref_slice %arg11[%dma_wait3A_52, %dma_wait3A_53] : memref<10112x16xf32, #tpu.memory_space<vmem_shared>> -> memref<10112x16xf32, #tpu.memory_space<vmem_shared>>
      tpu.wait_indirect_dma semaphore(%arg12 : memref<!tpu.dma_semaphore, #tpu.memory_space<semaphore_mem>>) src(%arg8 : memref<128x16xf32, #tpu.memory_space<vmem>>) dst(%dma_wait3A_54 : memref<10112x16xf32, #tpu.memory_space<vmem_shared>>)
    }
    %scan3A_35 = arith.constant 40 : i32
    %barrier3A_36 = arith.constant 0 : index
    tpu.barrier barrier_id(%barrier3A_36)
    %mul3A_37 = arith.constant 632 : i32
    %mul3A_38 = arith.muli %arg1, %mul3A_37 : i32
    "tpu.region"() ({
      %run_scoped3A = tpu.sem_alloc : memref<!tpu.dma_semaphore, #tpu.memory_space<semaphore_mem>>
      %dma_start3A = arith.constant 0 : i32
      %dma_start3A_39 = arith.constant 0 : i32
      %dma_start3A_40 = tpu.memref_slice %arg4[%arg0, %dma_start3A, %dma_start3A_39] : memref<2x10112x128xf32, #tpu.memory_space<hbm>> -> memref<1x10112x128xf32, #tpu.memory_space<hbm>>
      %dma_start3A_41 = tpu.memref_squeeze %dma_start3A_40 : memref<1x10112x128xf32, #tpu.memory_space<hbm>> -> memref<10112x128xf32, #tpu.memory_space<hbm>>
      %dma_start3A_42 = arith.constant 0 : i32
      %dma_start3A_43 = tpu.memref_slice %dma_start3A_41[%mul3A_38, %dma_start3A_42] : memref<10112x128xf32, #tpu.memory_space<hbm>> -> memref<632x16xf32, #tpu.memory_space<hbm>>
      %dma_start3A_44 = arith.constant 0 : i32
      %dma_start3A_45 = tpu.memref_slice %arg10[%mul3A_38, %dma_start3A_44] : memref<10112x16xf32, #tpu.memory_space<vmem_shared>> -> memref<632x16xf32, #tpu.memory_space<vmem_shared>>
      tpu.enqueue_dma source(%dma_start3A_45 : memref<632x16xf32, #tpu.memory_space<vmem_shared>>) target(%dma_start3A_43 : memref<632x16xf32, #tpu.memory_space<hbm>>) target_semaphore(%run_scoped3A : memref<!tpu.dma_semaphore, #tpu.memory_space<semaphore_mem>>)
      %dma_wait3A = arith.constant 0 : i32
      %dma_wait3A_46 = arith.constant 0 : i32
      %dma_wait3A_47 = tpu.memref_slice %arg4[%arg0, %dma_wait3A, %dma_wait3A_46] : memref<2x10112x128xf32, #tpu.memory_space<hbm>> -> memref<1x10112x128xf32, #tpu.memory_space<hbm>>
      %dma_wait3A_48 = tpu.memref_squeeze %dma_wait3A_47 : memref<1x10112x128xf32, #tpu.memory_space<hbm>> -> memref<10112x128xf32, #tpu.memory_space<hbm>>
      %dma_wait3A_49 = arith.constant 0 : i32
      %dma_wait3A_50 = tpu.memref_slice %dma_wait3A_48[%mul3A_38, %dma_wait3A_49] : memref<10112x128xf32, #tpu.memory_space<hbm>> -> memref<632x16xf32, #tpu.memory_space<hbm>>
      %dma_wait3A_51 = arith.constant 0 : i32
      %dma_wait3A_52 = tpu.memref_slice %arg10[%mul3A_38, %dma_wait3A_51] : memref<10112x16xf32, #tpu.memory_space<vmem_shared>> -> memref<632x16xf32, #tpu.memory_space<vmem_shared>>
      tpu.wait_dma2 semaphore(%run_scoped3A : memref<!tpu.dma_semaphore, #tpu.memory_space<semaphore_mem>>) src(%dma_wait3A_52 : memref<632x16xf32, #tpu.memory_space<vmem_shared>>) dst(%dma_wait3A_50 : memref<632x16xf32, #tpu.memory_space<hbm>>)
      tpu.yield
    }) : () -> ()
    "tpu.region"() ({
      %run_scoped3A = tpu.sem_alloc : memref<!tpu.dma_semaphore, #tpu.memory_space<semaphore_mem>>
      %dma_start3A = arith.constant 0 : i32
      %dma_start3A_39 = arith.constant 0 : i32
      %dma_start3A_40 = tpu.memref_slice %arg5[%arg0, %dma_start3A, %dma_start3A_39] : memref<2x10112x128xf32, #tpu.memory_space<hbm>> -> memref<1x10112x128xf32, #tpu.memory_space<hbm>>
      %dma_start3A_41 = tpu.memref_squeeze %dma_start3A_40 : memref<1x10112x128xf32, #tpu.memory_space<hbm>> -> memref<10112x128xf32, #tpu.memory_space<hbm>>
      %dma_start3A_42 = arith.constant 0 : i32
      %dma_start3A_43 = tpu.memref_slice %dma_start3A_41[%mul3A_38, %dma_start3A_42] : memref<10112x128xf32, #tpu.memory_space<hbm>> -> memref<632x16xf32, #tpu.memory_space<hbm>>
      %dma_start3A_44 = arith.constant 0 : i32
      %dma_start3A_45 = tpu.memref_slice %arg11[%mul3A_38, %dma_start3A_44] : memref<10112x16xf32, #tpu.memory_space<vmem_shared>> -> memref<632x16xf32, #tpu.memory_space<vmem_shared>>
      tpu.enqueue_dma source(%dma_start3A_45 : memref<632x16xf32, #tpu.memory_space<vmem_shared>>) target(%dma_start3A_43 : memref<632x16xf32, #tpu.memory_space<hbm>>) target_semaphore(%run_scoped3A : memref<!tpu.dma_semaphore, #tpu.memory_space<semaphore_mem>>)
      %dma_wait3A = arith.constant 0 : i32
      %dma_wait3A_46 = arith.constant 0 : i32
      %dma_wait3A_47 = tpu.memref_slice %arg5[%arg0, %dma_wait3A, %dma_wait3A_46] : memref<2x10112x128xf32, #tpu.memory_space<hbm>> -> memref<1x10112x128xf32, #tpu.memory_space<hbm>>
      %dma_wait3A_48 = tpu.memref_squeeze %dma_wait3A_47 : memref<1x10112x128xf32, #tpu.memory_space<hbm>> -> memref<10112x128xf32, #tpu.memory_space<hbm>>
      %dma_wait3A_49 = arith.constant 0 : i32
      %dma_wait3A_50 = tpu.memref_slice %dma_wait3A_48[%mul3A_38, %dma_wait3A_49] : memref<10112x128xf32, #tpu.memory_space<hbm>> -> memref<632x16xf32, #tpu.memory_space<hbm>>
      %dma_wait3A_51 = arith.constant 0 : i32
      %dma_wait3A_52 = tpu.memref_slice %arg11[%mul3A_38, %dma_wait3A_51] : memref<10112x16xf32, #tpu.memory_space<vmem_shared>> -> memref<632x16xf32, #tpu.memory_space<vmem_shared>>
      tpu.wait_dma2 semaphore(%run_scoped3A : memref<!tpu.dma_semaphore, #tpu.memory_space<semaphore_mem>>) src(%dma_wait3A_52 : memref<632x16xf32, #tpu.memory_space<vmem_shared>>) dst(%dma_wait3A_50 : memref<632x16xf32, #tpu.memory_space<hbm>>)
      tpu.yield
    }) : () -> ()
    return
  }
}

#map = affine_map<(d0, d1) -> (0, 0)>
#map1 = affine_map<(d0, d1) -> (0, 0, 0)>
module attributes {stable_mosaic.version = 14 : i64} {
  func.func @_sc_gather(%arg0: i32, %arg1: i32, %arg2: memref<10000x16xf32, #tpu.memory_space<hbm>>, %arg3: memref<32x40x128xi32, #tpu.memory_space<hbm>>, %arg4: memref<160000x128xf32, #tpu.memory_space<hbm>>, %arg5: memref<40x128xi32, #tpu.memory_space<vmem>>, %arg6: memref<5120x16xf32, #tpu.memory_space<vmem>>, %arg7: memref<!tpu.dma_semaphore, #tpu.memory_space<semaphore_mem>>) attributes {dimension_semantics = [#tpu.dimension_semantics<core_parallel>, #tpu.dimension_semantics<subcore_parallel>], iteration_bounds = array<i64: 2, 16>, scalar_prefetch = 0 : i64, scratch_operands = 3 : i64, tpu.core_type = #tpu.core_type<sc_vector_subcore>, window_params = [{transform_indices = #map}, {transform_indices = #map1}, {transform_indices = #map}]} {
    %mul3A = arith.constant 2 : i32
    %mul3A_0 = arith.muli %arg1, %mul3A : i32
    %add3A = arith.addi %mul3A_0, %arg0 : i32
    "tpu.region"() ({
      %run_scoped3A = tpu.sem_alloc : memref<!tpu.dma_semaphore, #tpu.memory_space<semaphore_mem>>
      %dma_start3A = arith.constant 0 : i32
      %dma_start3A_14 = arith.constant 0 : i32
      %dma_start3A_15 = tpu.memref_slice %arg3[%add3A, %dma_start3A, %dma_start3A_14] : memref<32x40x128xi32, #tpu.memory_space<hbm>> -> memref<1x40x128xi32, #tpu.memory_space<hbm>>
      %dma_start3A_16 = tpu.memref_squeeze %dma_start3A_15 : memref<1x40x128xi32, #tpu.memory_space<hbm>> -> memref<40x128xi32, #tpu.memory_space<hbm>>
      %dma_start3A_17 = arith.constant 0 : i32
      %dma_start3A_18 = arith.constant 0 : i32
      %dma_start3A_19 = tpu.memref_slice %arg3[%add3A, %dma_start3A_17, %dma_start3A_18] : memref<32x40x128xi32, #tpu.memory_space<hbm>> -> memref<1x40x128xi32, #tpu.memory_space<hbm>>
      %dma_start3A_20 = tpu.memref_squeeze %dma_start3A_19 : memref<1x40x128xi32, #tpu.memory_space<hbm>> -> memref<40x128xi32, #tpu.memory_space<hbm>>
      tpu.enqueue_dma source(%dma_start3A_20 : memref<40x128xi32, #tpu.memory_space<hbm>>) target(%arg5 : memref<40x128xi32, #tpu.memory_space<vmem>>) target_semaphore(%run_scoped3A : memref<!tpu.dma_semaphore, #tpu.memory_space<semaphore_mem>>)
      %dma_wait3A = arith.constant 0 : i32
      %dma_wait3A_21 = arith.constant 0 : i32
      %dma_wait3A_22 = tpu.memref_slice %arg3[%add3A, %dma_wait3A, %dma_wait3A_21] : memref<32x40x128xi32, #tpu.memory_space<hbm>> -> memref<1x40x128xi32, #tpu.memory_space<hbm>>
      %dma_wait3A_23 = tpu.memref_squeeze %dma_wait3A_22 : memref<1x40x128xi32, #tpu.memory_space<hbm>> -> memref<40x128xi32, #tpu.memory_space<hbm>>
      %dma_wait3A_24 = arith.constant 0 : i32
      %dma_wait3A_25 = arith.constant 0 : i32
      %dma_wait3A_26 = tpu.memref_slice %arg3[%add3A, %dma_wait3A_24, %dma_wait3A_25] : memref<32x40x128xi32, #tpu.memory_space<hbm>> -> memref<1x40x128xi32, #tpu.memory_space<hbm>>
      %dma_wait3A_27 = tpu.memref_squeeze %dma_wait3A_26 : memref<1x40x128xi32, #tpu.memory_space<hbm>> -> memref<40x128xi32, #tpu.memory_space<hbm>>
      tpu.wait_dma2 semaphore(%run_scoped3A : memref<!tpu.dma_semaphore, #tpu.memory_space<semaphore_mem>>) src(%dma_wait3A_27 : memref<40x128xi32, #tpu.memory_space<hbm>>) dst(%arg5 : memref<40x128xi32, #tpu.memory_space<vmem>>)
      tpu.yield
    }) : () -> ()
    %scan3A = arith.constant 0 : i32
    %scan3A_1 = arith.constant 0 : i32
    %scan3A_2 = arith.constant 40 : i32
    %scan3A_3 = arith.addi %scan3A_1, %scan3A_2 : i32
    %scan3A_4 = arith.constant 1 : i32
    scf.for %scan3A_14 = %scan3A_1 to %scan3A_3 step %scan3A_4  : i32 {
      %mul3A_15 = arith.constant 128 : i32
      %mul3A_16 = arith.muli %scan3A_14, %mul3A_15 : i32
      %dma_start3A = arith.constant 0 : i32
      %dma_start3A_17 = tpu.memref_slice %arg6[%mul3A_16, %dma_start3A] : memref<5120x16xf32, #tpu.memory_space<vmem>> -> memref<128x16xf32, #tpu.memory_space<vmem>>
      %dma_start3A_18 = arith.constant 0 : i32
      %dma_start3A_19 = tpu.memref_slice %arg5[%scan3A_14, %dma_start3A_18] : memref<40x128xi32, #tpu.memory_space<vmem>> -> memref<1x128xi32, #tpu.memory_space<vmem>>
      %dma_start3A_20 = tpu.memref_squeeze %dma_start3A_19 : memref<1x128xi32, #tpu.memory_space<vmem>> -> memref<128xi32, #tpu.memory_space<vmem>>
      %dma_start3A_21 = arith.constant 0 : i32
      %dma_start3A_22 = arith.constant 0 : i32
      %dma_start3A_23 = tpu.memref_slice %arg2[%dma_start3A_21, %dma_start3A_22] : memref<10000x16xf32, #tpu.memory_space<hbm>> -> memref<10000x16xf32, #tpu.memory_space<hbm>>
      tpu.enqueue_indirect_dma source(%dma_start3A_23 : memref<10000x16xf32, #tpu.memory_space<hbm>>) target(%dma_start3A_17 : memref<128x16xf32, #tpu.memory_space<vmem>>) offsets(%dma_start3A_20 : memref<128xi32, #tpu.memory_space<vmem>>) semaphore(%arg7 : memref<!tpu.dma_semaphore, #tpu.memory_space<semaphore_mem>>)
    }
    %scan3A_5 = arith.constant 40 : i32
    %scan3A_6 = arith.constant 0 : i32
    %scan3A_7 = arith.constant 0 : i32
    %scan3A_8 = arith.constant 40 : i32
    %scan3A_9 = arith.addi %scan3A_7, %scan3A_8 : i32
    %scan3A_10 = arith.constant 1 : i32
    scf.for %scan3A_14 = %scan3A_7 to %scan3A_9 step %scan3A_10  : i32 {
      %mul3A_15 = arith.constant 128 : i32
      %mul3A_16 = arith.muli %scan3A_14, %mul3A_15 : i32
      %dma_wait3A = arith.constant 0 : i32
      %dma_wait3A_17 = tpu.memref_slice %arg6[%mul3A_16, %dma_wait3A] : memref<5120x16xf32, #tpu.memory_space<vmem>> -> memref<128x16xf32, #tpu.memory_space<vmem>>
      %dma_wait3A_18 = arith.constant 0 : i32
      %dma_wait3A_19 = tpu.memref_slice %arg5[%scan3A_14, %dma_wait3A_18] : memref<40x128xi32, #tpu.memory_space<vmem>> -> memref<1x128xi32, #tpu.memory_space<vmem>>
      %dma_wait3A_20 = tpu.memref_squeeze %dma_wait3A_19 : memref<1x128xi32, #tpu.memory_space<vmem>> -> memref<128xi32, #tpu.memory_space<vmem>>
      %dma_wait3A_21 = arith.constant 0 : i32
      %dma_wait3A_22 = arith.constant 0 : i32
      %dma_wait3A_23 = tpu.memref_slice %arg2[%dma_wait3A_21, %dma_wait3A_22] : memref<10000x16xf32, #tpu.memory_space<hbm>> -> memref<10000x16xf32, #tpu.memory_space<hbm>>
      tpu.wait_indirect_dma semaphore(%arg7 : memref<!tpu.dma_semaphore, #tpu.memory_space<semaphore_mem>>) src(%dma_wait3A_23 : memref<10000x16xf32, #tpu.memory_space<hbm>>) dst(%dma_wait3A_17 : memref<128x16xf32, #tpu.memory_space<vmem>>)
    }
    %scan3A_11 = arith.constant 40 : i32
    %mul3A_12 = arith.constant 5000 : i32
    %mul3A_13 = arith.muli %add3A, %mul3A_12 : i32
    "tpu.region"() ({
      %run_scoped3A = tpu.sem_alloc : memref<!tpu.dma_semaphore, #tpu.memory_space<semaphore_mem>>
      %dma_start3A = arith.constant 0 : i32
      %dma_start3A_14 = arith.constant 0 : i32
      %dma_start3A_15 = tpu.memref_slice %arg6[%dma_start3A, %dma_start3A_14] : memref<5120x16xf32, #tpu.memory_space<vmem>> -> memref<5000x16xf32, #tpu.memory_space<vmem>>
      %dma_start3A_16 = arith.constant 0 : i32
      %dma_start3A_17 = tpu.memref_slice %arg4[%mul3A_13, %dma_start3A_16] : memref<160000x128xf32, #tpu.memory_space<hbm>> -> memref<5000x16xf32, #tpu.memory_space<hbm>>
      %dma_start3A_18 = arith.constant 0 : i32
      %dma_start3A_19 = tpu.memref_slice %arg4[%mul3A_13, %dma_start3A_18] : memref<160000x128xf32, #tpu.memory_space<hbm>> -> memref<5000x16xf32, #tpu.memory_space<hbm>>
      %dma_start3A_20 = arith.constant 0 : i32
      %dma_start3A_21 = arith.constant 0 : i32
      %dma_start3A_22 = tpu.memref_slice %arg6[%dma_start3A_20, %dma_start3A_21] : memref<5120x16xf32, #tpu.memory_space<vmem>> -> memref<5000x16xf32, #tpu.memory_space<vmem>>
      tpu.enqueue_dma source(%dma_start3A_22 : memref<5000x16xf32, #tpu.memory_space<vmem>>) target(%dma_start3A_19 : memref<5000x16xf32, #tpu.memory_space<hbm>>) target_semaphore(%run_scoped3A : memref<!tpu.dma_semaphore, #tpu.memory_space<semaphore_mem>>)
      %dma_wait3A = arith.constant 0 : i32
      %dma_wait3A_23 = arith.constant 0 : i32
      %dma_wait3A_24 = tpu.memref_slice %arg6[%dma_wait3A, %dma_wait3A_23] : memref<5120x16xf32, #tpu.memory_space<vmem>> -> memref<5000x16xf32, #tpu.memory_space<vmem>>
      %dma_wait3A_25 = arith.constant 0 : i32
      %dma_wait3A_26 = tpu.memref_slice %arg4[%mul3A_13, %dma_wait3A_25] : memref<160000x128xf32, #tpu.memory_space<hbm>> -> memref<5000x16xf32, #tpu.memory_space<hbm>>
      %dma_wait3A_27 = arith.constant 0 : i32
      %dma_wait3A_28 = tpu.memref_slice %arg4[%mul3A_13, %dma_wait3A_27] : memref<160000x128xf32, #tpu.memory_space<hbm>> -> memref<5000x16xf32, #tpu.memory_space<hbm>>
      %dma_wait3A_29 = arith.constant 0 : i32
      %dma_wait3A_30 = arith.constant 0 : i32
      %dma_wait3A_31 = tpu.memref_slice %arg6[%dma_wait3A_29, %dma_wait3A_30] : memref<5120x16xf32, #tpu.memory_space<vmem>> -> memref<5000x16xf32, #tpu.memory_space<vmem>>
      tpu.wait_dma2 semaphore(%run_scoped3A : memref<!tpu.dma_semaphore, #tpu.memory_space<semaphore_mem>>) src(%dma_wait3A_31 : memref<5000x16xf32, #tpu.memory_space<vmem>>) dst(%dma_wait3A_28 : memref<5000x16xf32, #tpu.memory_space<hbm>>)
      tpu.yield
    }) : () -> ()
    return
  }
}

module attributes {stable_mosaic.version = 14 : i64} {
  func.func @_msg_body(%arg0: i32, %arg1: memref<5000x16xf32, #tpu.memory_space<vmem>>, %arg2: memref<5000x128xf32, #tpu.memory_space<vmem>>, %arg3: memref<16x256xf32, #tpu.memory_space<vmem>>, %arg4: memref<1x256xf32, #tpu.memory_space<vmem>>, %arg5: memref<256x256xbf16, #tpu.memory_space<vmem>>, %arg6: memref<1x256xf32, #tpu.memory_space<vmem>>, %arg7: memref<16x256xf32, #tpu.memory_space<vmem>>, %arg8: memref<256x16xbf16, #tpu.memory_space<vmem>>, %arg9: memref<5000x128xf32, #tpu.memory_space<vmem>>) attributes {dimension_semantics = [#tpu.dimension_semantics<arbitrary>], iteration_bounds = array<i64: 32>, scalar_prefetch = 0 : i64, scratch_operands = 0 : i64, tpu.core_type = #tpu.core_type<tc>, window_params = [{transform_indices = @transform_0, window_bounds = array<i64: 5000, 16>}, {transform_indices = @transform_1, window_bounds = array<i64: 5000, 128>}, {pipeline_mode = #tpu.pipeline_mode<synchronous>, transform_indices = @transform_2, window_bounds = array<i64: 16, 256>}, {pipeline_mode = #tpu.pipeline_mode<synchronous>, transform_indices = @transform_3, window_bounds = array<i64: 1, 256>}, {pipeline_mode = #tpu.pipeline_mode<synchronous>, transform_indices = @transform_4, window_bounds = array<i64: 256, 256>}, {pipeline_mode = #tpu.pipeline_mode<synchronous>, transform_indices = @transform_5, window_bounds = array<i64: 1, 256>}, {pipeline_mode = #tpu.pipeline_mode<synchronous>, transform_indices = @transform_6, window_bounds = array<i64: 16, 256>}, {pipeline_mode = #tpu.pipeline_mode<synchronous>, transform_indices = @transform_7, window_bounds = array<i64: 256, 16>}, {transform_indices = @transform_8, window_bounds = array<i64: 5000, 128>}]} {
    %get3A = arith.constant 0 : index
    %get3A_0 = arith.constant 0 : index
    %get3A_1 = vector.load %arg1[%get3A, %get3A_0] : memref<5000x16xf32, #tpu.memory_space<vmem>>, vector<5000x16xf32>
    %get3A_2 = arith.constant 0 : index
    %get3A_3 = arith.constant 0 : index
    %get3A_4 = vector.load %arg3[%get3A_2, %get3A_3] : memref<16x256xf32, #tpu.memory_space<vmem>>, vector<16x256xf32>
    %dot_general3A = arith.constant dense<0.000000e+00> : vector<5000x256xf32>
    %dot_general3A_5 = tpu.matmul %get3A_1, %get3A_4, %dot_general3A {dimension_numbers = #tpu.dot_dimension_numbers<[1], [0], [0], [1], [0, 0, 1, 1], [], []>, transpose_lhs_hint = false} : vector<5000x16xf32>, vector<16x256xf32>, vector<5000x256xf32> -> vector<5000x256xf32>
    %get3A_6 = arith.constant 0 : index
    %get3A_7 = arith.constant 0 : index
    %get3A_8 = vector.load %arg4[%get3A_6, %get3A_7] : memref<1x256xf32, #tpu.memory_space<vmem>>, vector<1x256xf32>
    %add3A = vector.broadcast %get3A_8 : vector<1x256xf32> to vector<5000x256xf32>
    %add3A_9 = arith.addf %dot_general3A_5, %add3A : vector<5000x256xf32>
    %gt3A = arith.constant 0.000000e+00 : f32
    %gt3A_10 = vector.broadcast %gt3A : f32 to vector<5000x256xf32>
    %gt3A_11 = arith.cmpf ogt, %add3A_9, %gt3A_10 : vector<5000x256xf32>
    %mul3A = arith.constant 0.00999999977 : f32
    %mul3A_12 = vector.broadcast %mul3A : f32 to vector<5000x256xf32>
    %mul3A_13 = arith.mulf %mul3A_12, %add3A_9 : vector<5000x256xf32>
    %select_n3A = arith.select %gt3A_11, %add3A_9, %mul3A_13 : vector<5000x256xi1>, vector<5000x256xf32>
    %convert_element_type3A = arith.truncf %select_n3A : vector<5000x256xf32> to vector<5000x256xbf16>
    %get3A_14 = arith.constant 0 : index
    %get3A_15 = arith.constant 0 : index
    %get3A_16 = vector.load %arg5[%get3A_14, %get3A_15] : memref<256x256xbf16, #tpu.memory_space<vmem>>, vector<256x256xbf16>
    %dot_general3A_17 = arith.constant dense<0.000000e+00> : vector<5000x256xf32>
    %dot_general3A_18 = tpu.matmul %convert_element_type3A, %get3A_16, %dot_general3A_17 {dimension_numbers = #tpu.dot_dimension_numbers<[1], [0], [0], [1], [0, 0, 1, 1], [], []>, transpose_lhs_hint = false} : vector<5000x256xbf16>, vector<256x256xbf16>, vector<5000x256xf32> -> vector<5000x256xf32>
    %get3A_19 = arith.constant 0 : index
    %get3A_20 = arith.constant 0 : index
    %get3A_21 = vector.load %arg6[%get3A_19, %get3A_20] : memref<1x256xf32, #tpu.memory_space<vmem>>, vector<1x256xf32>
    %add3A_22 = vector.broadcast %get3A_21 : vector<1x256xf32> to vector<5000x256xf32>
    %add3A_23 = arith.addf %dot_general3A_18, %add3A_22 : vector<5000x256xf32>
    %get3A_24 = arith.constant 0 : index
    %get3A_25 = arith.constant 0 : index
    %get3A_26 = vector.load %arg2[%get3A_24, %get3A_25] : memref<5000x128xf32, #tpu.memory_space<vmem>>, vector<5000x128xf32>
    %slice3A = vector.extract_strided_slice %get3A_26 {offsets = [0, 0], sizes = [5000, 16], strides = [1, 1]} : vector<5000x128xf32> to vector<5000x16xf32>
    %get3A_27 = arith.constant 0 : index
    %get3A_28 = arith.constant 0 : index
    %get3A_29 = vector.load %arg7[%get3A_27, %get3A_28] : memref<16x256xf32, #tpu.memory_space<vmem>>, vector<16x256xf32>
    %dot_general3A_30 = arith.constant dense<0.000000e+00> : vector<5000x256xf32>
    %dot_general3A_31 = tpu.matmul %slice3A, %get3A_29, %dot_general3A_30 {dimension_numbers = #tpu.dot_dimension_numbers<[1], [0], [0], [1], [0, 0, 1, 1], [], []>, transpose_lhs_hint = false} : vector<5000x16xf32>, vector<16x256xf32>, vector<5000x256xf32> -> vector<5000x256xf32>
    %mul3A_32 = arith.mulf %dot_general3A_31, %add3A_23 : vector<5000x256xf32>
    %convert_element_type3A_33 = arith.truncf %mul3A_32 : vector<5000x256xf32> to vector<5000x256xbf16>
    %get3A_34 = arith.constant 0 : index
    %get3A_35 = arith.constant 0 : index
    %get3A_36 = vector.load %arg8[%get3A_34, %get3A_35] : memref<256x16xbf16, #tpu.memory_space<vmem>>, vector<256x16xbf16>
    %dot_general3A_37 = arith.constant dense<0.000000e+00> : vector<5000x16xf32>
    %dot_general3A_38 = tpu.matmul %convert_element_type3A_33, %get3A_36, %dot_general3A_37 {dimension_numbers = #tpu.dot_dimension_numbers<[1], [0], [0], [1], [0, 0, 1, 1], [], []>, transpose_lhs_hint = false} : vector<5000x256xbf16>, vector<256x16xbf16>, vector<5000x16xf32> -> vector<5000x16xf32>
    %broadcast_in_dim3A = arith.constant 0.000000e+00 : f32
    %broadcast_in_dim3A_39 = vector.broadcast %broadcast_in_dim3A : f32 to vector<5000x112xf32>
    %concatenate3A = tpu.concatenate %dot_general3A_38, %broadcast_in_dim3A_39 in 1 : vector<5000x16xf32>, vector<5000x112xf32> -> vector<5000x128xf32>
    %swap3A = arith.constant 0 : index
    %swap3A_40 = arith.constant 0 : index
    %swap3A_41 = vector.load %arg9[%swap3A, %swap3A_40] : memref<5000x128xf32, #tpu.memory_space<vmem>>, vector<5000x128xf32>
    tpu.vector_store %arg9[%swap3A, %swap3A_40], %concatenate3A {strides = array<i32>} : memref<5000x128xf32, #tpu.memory_space<vmem>>, vector<5000x128xf32>,
    return
  }
  func.func @transform_0(%arg0: i32) -> (i32, i32) {
    %c0_i32 = arith.constant 0 : i32
    %c0_i32_0 = arith.constant 0 : i32
    return %arg0, %c0_i32 : i32, i32
  }
  func.func @transform_1(%arg0: i32) -> (i32, i32) {
    %c0_i32 = arith.constant 0 : i32
    %c0_i32_0 = arith.constant 0 : i32
    return %arg0, %c0_i32 : i32, i32
  }
  func.func @transform_2(%arg0: i32) -> (i32, i32) {
    %c0_i32 = arith.constant 0 : i32
    %c0_i32_0 = arith.constant 0 : i32
    %c0_i32_1 = arith.constant 0 : i32
    return %c0_i32, %c0_i32_0 : i32, i32
  }
  func.func @transform_3(%arg0: i32) -> (i32, i32) {
    %c0_i32 = arith.constant 0 : i32
    %c0_i32_0 = arith.constant 0 : i32
    %c0_i32_1 = arith.constant 0 : i32
    return %c0_i32, %c0_i32_0 : i32, i32
  }
  func.func @transform_4(%arg0: i32) -> (i32, i32) {
    %c0_i32 = arith.constant 0 : i32
    %c0_i32_0 = arith.constant 0 : i32
    %c0_i32_1 = arith.constant 0 : i32
    return %c0_i32, %c0_i32_0 : i32, i32
  }
  func.func @transform_5(%arg0: i32) -> (i32, i32) {
    %c0_i32 = arith.constant 0 : i32
    %c0_i32_0 = arith.constant 0 : i32
    %c0_i32_1 = arith.constant 0 : i32
    return %c0_i32, %c0_i32_0 : i32, i32
  }
  func.func @transform_6(%arg0: i32) -> (i32, i32) {
    %c0_i32 = arith.constant 0 : i32
    %c0_i32_0 = arith.constant 0 : i32
    %c0_i32_1 = arith.constant 0 : i32
    return %c0_i32, %c0_i32_0 : i32, i32
  }
  func.func @transform_7(%arg0: i32) -> (i32, i32) {
    %c0_i32 = arith.constant 0 : i32
    %c0_i32_0 = arith.constant 0 : i32
    %c0_i32_1 = arith.constant 0 : i32
    return %c0_i32, %c0_i32_0 : i32, i32
  }
  func.func @transform_8(%arg0: i32) -> (i32, i32) {
    %c0_i32 = arith.constant 0 : i32
    %c0_i32_0 = arith.constant 0 : i32
    return %arg0, %c0_i32 : i32, i32
  }
}

module attributes {stable_mosaic.version = 14 : i64} {
  func.func @_epi0_body(%arg0: memref<2x10112x128xf32, #tpu.memory_space<vmem>>, %arg1: memref<2x10112x128xf32, #tpu.memory_space<vmem>>, %arg2: memref<10000x16xf32, #tpu.memory_space<vmem>>, %arg3: memref<16x16xf32, #tpu.memory_space<vmem>>, %arg4: memref<1x16xf32, #tpu.memory_space<vmem>>, %arg5: memref<10000x16xf32, #tpu.memory_space<vmem>>, %arg6: memref<10000x16xf32, #tpu.memory_space<vmem>>) attributes {dimension_semantics = [], scalar_prefetch = 0 : i64, scratch_operands = 0 : i64, tpu.core_type = #tpu.core_type<tc>} {
    %get3A = arith.constant 0 : index
    %get3A_0 = arith.constant 0 : index
    %get3A_1 = arith.constant 0 : index
    %get3A_2 = vector.load %arg1[%get3A, %get3A_0, %get3A_1] : memref<2x10112x128xf32, #tpu.memory_space<vmem>>, vector<1x10000x16xf32>
    %get3A_3 = vector.shape_cast %get3A_2 : vector<1x10000x16xf32> to vector<10000x16xf32>
    %get3A_4 = arith.constant 1 : index
    %get3A_5 = arith.constant 0 : index
    %get3A_6 = arith.constant 0 : index
    %get3A_7 = vector.load %arg1[%get3A_4, %get3A_5, %get3A_6] : memref<2x10112x128xf32, #tpu.memory_space<vmem>>, vector<1x10000x16xf32>
    %get3A_8 = vector.shape_cast %get3A_7 : vector<1x10000x16xf32> to vector<10000x16xf32>
    %add3A = arith.addf %get3A_3, %get3A_8 : vector<10000x16xf32>
    %max3A = arith.constant 1.000000e+00 : f32
    %max3A_9 = vector.broadcast %max3A : f32 to vector<10000x16xf32>
    %max3A_10 = arith.maximumf %add3A, %max3A_9 : vector<10000x16xf32>
    %div3A = arith.constant 1.000000e+00 : f32
    %div3A_11 = vector.broadcast %div3A : f32 to vector<10000x16xf32>
    %div3A_12 = arith.divf %div3A_11, %max3A_10 : vector<10000x16xf32>
    %get3A_13 = arith.constant 0 : index
    %get3A_14 = arith.constant 0 : index
    %get3A_15 = arith.constant 0 : index
    %get3A_16 = vector.load %arg0[%get3A_13, %get3A_14, %get3A_15] : memref<2x10112x128xf32, #tpu.memory_space<vmem>>, vector<1x10000x16xf32>
    %get3A_17 = vector.shape_cast %get3A_16 : vector<1x10000x16xf32> to vector<10000x16xf32>
    %get3A_18 = arith.constant 1 : index
    %get3A_19 = arith.constant 0 : index
    %get3A_20 = arith.constant 0 : index
    %get3A_21 = vector.load %arg0[%get3A_18, %get3A_19, %get3A_20] : memref<2x10112x128xf32, #tpu.memory_space<vmem>>, vector<1x10000x16xf32>
    %get3A_22 = vector.shape_cast %get3A_21 : vector<1x10000x16xf32> to vector<10000x16xf32>
    %add3A_23 = arith.addf %get3A_17, %get3A_22 : vector<10000x16xf32>
    %mul3A = arith.mulf %add3A_23, %div3A_12 : vector<10000x16xf32>
    %get3A_24 = arith.constant 0 : index
    %get3A_25 = arith.constant 0 : index
    %get3A_26 = vector.load %arg2[%get3A_24, %get3A_25] : memref<10000x16xf32, #tpu.memory_space<vmem>>, vector<10000x16xf32>
    %get3A_27 = arith.constant 0 : index
    %get3A_28 = arith.constant 0 : index
    %get3A_29 = vector.load %arg3[%get3A_27, %get3A_28] : memref<16x16xf32, #tpu.memory_space<vmem>>, vector<16x16xf32>
    %dot_general3A = arith.constant dense<0.000000e+00> : vector<10000x16xf32>
    %dot_general3A_30 = tpu.matmul %get3A_26, %get3A_29, %dot_general3A {dimension_numbers = #tpu.dot_dimension_numbers<[1], [0], [0], [1], [0, 0, 1, 1], [], []>, transpose_lhs_hint = false} : vector<10000x16xf32>, vector<16x16xf32>, vector<10000x16xf32> -> vector<10000x16xf32>
    %add3A_31 = arith.addf %mul3A, %dot_general3A_30 : vector<10000x16xf32>
    %get3A_32 = arith.constant 0 : index
    %get3A_33 = arith.constant 0 : index
    %get3A_34 = vector.load %arg4[%get3A_32, %get3A_33] : memref<1x16xf32, #tpu.memory_space<vmem>>, vector<1x16xf32>
    %add3A_35 = vector.broadcast %get3A_34 : vector<1x16xf32> to vector<10000x16xf32>
    %add3A_36 = arith.addf %add3A_31, %add3A_35 : vector<10000x16xf32>
    %gt3A = arith.constant 0.000000e+00 : f32
    %gt3A_37 = vector.broadcast %gt3A : f32 to vector<10000x16xf32>
    %gt3A_38 = arith.cmpf ogt, %add3A_36, %gt3A_37 : vector<10000x16xf32>
    %mul3A_39 = arith.constant 0.00999999977 : f32
    %mul3A_40 = vector.broadcast %mul3A_39 : f32 to vector<10000x16xf32>
    %mul3A_41 = arith.mulf %mul3A_40, %add3A_36 : vector<10000x16xf32>
    %select_n3A = arith.select %gt3A_38, %add3A_36, %mul3A_41 : vector<10000x16xi1>, vector<10000x16xf32>
    %swap3A = arith.constant 0 : index
    %swap3A_42 = arith.constant 0 : index
    %swap3A_43 = vector.load %arg5[%swap3A, %swap3A_42] : memref<10000x16xf32, #tpu.memory_space<vmem>>, vector<10000x16xf32>
    tpu.vector_store %arg5[%swap3A, %swap3A_42], %select_n3A {strides = array<i32>} : memref<10000x16xf32, #tpu.memory_space<vmem>>, vector<10000x16xf32>,
    %swap3A_44 = arith.constant 0 : index
    %swap3A_45 = arith.constant 0 : index
    %swap3A_46 = vector.load %arg6[%swap3A_44, %swap3A_45] : memref<10000x16xf32, #tpu.memory_space<vmem>>, vector<10000x16xf32>
    tpu.vector_store %arg6[%swap3A_44, %swap3A_45], %div3A_12 {strides = array<i32>} : memref<10000x16xf32, #tpu.memory_space<vmem>>, vector<10000x16xf32>,
    return
  }
}

module attributes {stable_mosaic.version = 14 : i64} {
  func.func @_epi1_body(%arg0: memref<2x10112x128xf32, #tpu.memory_space<vmem>>, %arg1: memref<10000x16xf32, #tpu.memory_space<vmem>>, %arg2: memref<10000x16xf32, #tpu.memory_space<vmem>>, %arg3: memref<16x16xf32, #tpu.memory_space<vmem>>, %arg4: memref<1x16xf32, #tpu.memory_space<vmem>>, %arg5: memref<10000x16xf32, #tpu.memory_space<vmem>>) attributes {dimension_semantics = [], scalar_prefetch = 0 : i64, scratch_operands = 0 : i64, tpu.core_type = #tpu.core_type<tc>} {
    %get3A = arith.constant 0 : index
    %get3A_0 = arith.constant 0 : index
    %get3A_1 = arith.constant 0 : index
    %get3A_2 = vector.load %arg0[%get3A, %get3A_0, %get3A_1] : memref<2x10112x128xf32, #tpu.memory_space<vmem>>, vector<1x10000x16xf32>
    %get3A_3 = vector.shape_cast %get3A_2 : vector<1x10000x16xf32> to vector<10000x16xf32>
    %get3A_4 = arith.constant 1 : index
    %get3A_5 = arith.constant 0 : index
    %get3A_6 = arith.constant 0 : index
    %get3A_7 = vector.load %arg0[%get3A_4, %get3A_5, %get3A_6] : memref<2x10112x128xf32, #tpu.memory_space<vmem>>, vector<1x10000x16xf32>
    %get3A_8 = vector.shape_cast %get3A_7 : vector<1x10000x16xf32> to vector<10000x16xf32>
    %add3A = arith.addf %get3A_3, %get3A_8 : vector<10000x16xf32>
    %get3A_9 = arith.constant 0 : index
    %get3A_10 = arith.constant 0 : index
    %get3A_11 = vector.load %arg1[%get3A_9, %get3A_10] : memref<10000x16xf32, #tpu.memory_space<vmem>>, vector<10000x16xf32>
    %mul3A = arith.mulf %add3A, %get3A_11 : vector<10000x16xf32>
    %get3A_12 = arith.constant 0 : index
    %get3A_13 = arith.constant 0 : index
    %get3A_14 = vector.load %arg2[%get3A_12, %get3A_13] : memref<10000x16xf32, #tpu.memory_space<vmem>>, vector<10000x16xf32>
    %get3A_15 = arith.constant 0 : index
    %get3A_16 = arith.constant 0 : index
    %get3A_17 = vector.load %arg3[%get3A_15, %get3A_16] : memref<16x16xf32, #tpu.memory_space<vmem>>, vector<16x16xf32>
    %dot_general3A = arith.constant dense<0.000000e+00> : vector<10000x16xf32>
    %dot_general3A_18 = tpu.matmul %get3A_14, %get3A_17, %dot_general3A {dimension_numbers = #tpu.dot_dimension_numbers<[1], [0], [0], [1], [0, 0, 1, 1], [], []>, transpose_lhs_hint = false} : vector<10000x16xf32>, vector<16x16xf32>, vector<10000x16xf32> -> vector<10000x16xf32>
    %add3A_19 = arith.addf %mul3A, %dot_general3A_18 : vector<10000x16xf32>
    %get3A_20 = arith.constant 0 : index
    %get3A_21 = arith.constant 0 : index
    %get3A_22 = vector.load %arg4[%get3A_20, %get3A_21] : memref<1x16xf32, #tpu.memory_space<vmem>>, vector<1x16xf32>
    %add3A_23 = vector.broadcast %get3A_22 : vector<1x16xf32> to vector<10000x16xf32>
    %add3A_24 = arith.addf %add3A_19, %add3A_23 : vector<10000x16xf32>
    %swap3A = arith.constant 0 : index
    %swap3A_25 = arith.constant 0 : index
    %swap3A_26 = vector.load %arg5[%swap3A, %swap3A_25] : memref<10000x16xf32, #tpu.memory_space<vmem>>, vector<10000x16xf32>
    tpu.vector_store %arg5[%swap3A, %swap3A_25], %add3A_24 {strides = array<i32>} : memref<10000x16xf32, #tpu.memory_space<vmem>>, vector<10000x16xf32>,
    return
  }
}

</mosaic_0001>

<sc_bundles>
// kernel: kernel.10.cloned.1.call-start
scs
__scs_entry_jumppad:
0x0: {  	(pc) =	sbr.rel $0x88, $3  }
0x1: {  	(tag) =	ssettag $0x0;
	lr =	simm.s32 $0x1  }
0x2: {  	[smem:$0x3F92] =	sst lr;
	_ =	strace $0xD0000000  }
0x3: {  	_ = 	snop  }
0x4: {  	_ = 	snop  }
0x5: {  	_ = 	snop  }
0x6: {  	_ = 	snop  }
0x7: {  	_ = 	snop  }
__scs_overlays_trampoline_lowered:
0x8: {  	[smem:$0x3FA1] =	sst s0  }
0x9: {  	[smem:$0x3FA2] =	sst s1  }
0xa: {  	[smem:$0x3FA3] =	sst s2  }
0xb: {  	[smem:$0x3FA4] =	sst s3  }
0xc: {  	[smem:$0x3FA5] =	sst s4  }
0xd: {  	[smem:$0x3FA6] =	sst s5  }
0xe: {  	[smem:$0x3FA7] =	sst s6  }
0xf: {  	[smem:$0x3FA8] =	sst s7  }
0x10: {  	[smem:$0x3FA9] =	sst s8  }
0x11: {  	[smem:$0x3FAA] =	sst s9;
	s0 =	simm.s32 @!p0 $0x0  }
0x12: {  	s1 =	sld [smem:$0x3F90];
	s0 =	simm.s32 @p0 $0x1  }
0x13: {  	[smem:$0x3FAB] =	sst s0;
	s0 =	simm.s32 @!p1 $0x0  }
0x14: {  	s2 =	sld [smem:$0x3F8F];
	s0 =	simm.s32 @p1 $0x1  }
0x15: {  	[smem:$0x3FAC] =	sst s0;
	s0 =	simm.s32 @!p2 $0x0  }
0x16: {  	s3 =	sld [smem:$0x3FDB];
	s0 =	simm.s32 @p2 $0x1  }
0x17: {  	s4 =	simm.s32 $0x1BF5;
	[smem:$0x3FAE] =	sst s0  }
0x18: {  	s0 =	sld [smem:$0x3F91];
	_ =	swait.ge [sflag:s4], $0x0  }
0x19: {  	s7 =	sld [smem:$0x3F92]  }
0x1a: {  	s8 =	sadd.s32 $0xFFFFE003, lr  }
0x1b: {  	s9 =	sadd.s32 $0xFFFFFEF7, lr;
	s5 =	simm.s32 $0xFFFFFFFF;
	p2 =	slt.u32 s8, $0xFFFFF086  }
0x1c: {  	p1 =	slt.u32 s9, $0xF7A;
	s5 =	simm.s32 @!p2 $0x0  }
0x1d: {  	s5 =	simm.s32 @p1 $0x1;
	p0 =	seq.s32 s7, s2  }
0x1e: {  	s7 =	smul.u32 @!p0 $0xF7A, s2;
	p2 =	seq.s32 @!p0 s5, $0x0  }
0x1f: {  	s9 =	smul.u32 $0xF7A, s1;
	s8 =	simm.s32 @!p0 $0x1BF5;
	p2 =	por !p2, p0  }
0x20: {  	[sflag:s8] =	ssyncset.s32 @!p0 $0xFFFFF086;
	s6 =	sadd.s32 @!p0 s3, s7;
	s7 =	simm.s32 @!p0 $0x108  }
0x21: {  	s3 =	sadd.s32 s3, s9;
	s6 =	sadd.s32 @!p0 $0x88, s6;
	s7 =	simm.s32 @p2 $0x1082  }
0x22: {  	[simem:s7], [sflag:s8] =	dma.local @!p0 [hbm:s6], $0xF7A  }
0x23: {  	s9 =	sor.u32 $0xD0000000, s2;
	s6 =	simm.s32 $0x108;
	_ =	swait.ge @!p0 [sflag:s8], $0x0  }
0x24: {  	s3 =	sadd.s32 $0x88, s3;
	s6 =	simm.s32 @!p1 $0x1082;
	[sflag:s4] =	ssyncset.s32 $0xFFFFF086  }
0x25: {  	[simem:s6], [sflag:s4] =	dma.local [hbm:s3], $0xF7A  }
0x26: {  	[smem:$0x3F92] =	sst s1;
	(tag) =	ssettag s2;
	_ =	strace s9  }
0x27: {  	s1 =	sld [smem:$0x3FA2]  }
0x28: {  	s2 =	sld [smem:$0x3FA3]  }
0x29: {  	s4 =	sld [smem:$0x3FA5]  }
0x2a: {  	p0 =	seq.s32 s5, $0x0;
	s5 =	sld [smem:$0x3FA6]  }
0x2b: {  	s6 =	sld [smem:$0x3FA7]  }
0x2c: {  	s7 =	sld [smem:$0x3FA8]  }
0x2d: {  	s3 =	simm.s32 $0x108;
	s8 =	sld [smem:$0x3FA9]  }
0x2e: {  	s3 =	simm.s32 @!p0 $0x1082;
	s9 =	sld [smem:$0x3FAA]  }
0x2f: {  	lr =	sadd.s32 s0, s3;
	s0 =	sld [smem:$0x3FA1]  }
0x30: {  	s3 =	sld [smem:$0x3FA4]  }
0x31: {  	[smem:$0x3FAD] =	sst s10  }
0x32: {  	s10 =	sld [smem:$0x3FAB];
	_ =	sdelay $0x3  }
0x33: {  	p0 =	seq.s32 s10, $0x1;
	s10 =	sld [smem:$0x3FAD];
	_ =	sdelay $0x3  }
0x34: {  	[smem:$0x3FAD] =	sst s10  }
0x35: {  	s10 =	sld [smem:$0x3FAC];
	_ =	sdelay $0x3  }
0x36: {  	p1 =	seq.s32 s10, $0x1;
	s10 =	sld [smem:$0x3FAD];
	_ =	sdelay $0x3  }
0x37: {  	[smem:$0x3FAD] =	sst s10  }
0x38: {  	s10 =	sld [smem:$0x3FAE]  }
0x39: {  	_ = 	snop;
	(pc) =	sbr.ind lr, $3  }
0x3a: {  	_ = 	snop  }
0x3b: {  	_ = 	snop  }
0x3c: {  	p2 =	seq.s32 s10, $0x1;
	s10 =	sld [smem:$0x3FAD]  }
0x3d: {  	_ =	shalt  }
0x3e: {  	_ =	shalt  }
0x3f: {  	_ =	shalt  }
0x40: {  	_ =	shalt  }
0x41: {  	_ =	shalt  }
0x42: {  	_ =	shalt  }
0x43: {  	_ =	shalt  }
0x44: {  	_ =	shalt  }
0x45: {  	_ =	shalt  }
0x46: {  	_ =	shalt  }
0x47: {  	_ =	shalt  }
0x48: {  	_ =	shalt  }
0x49: {  	_ =	shalt  }
0x4a: {  	_ =	shalt  }
0x4b: {  	_ =	shalt  }
0x4c: {  	_ =	shalt  }
0x4d: {  	_ =	shalt  }
0x4e: {  	_ =	shalt  }
0x4f: {  	_ =	shalt  }
0x50: {  	_ =	shalt  }
0x51: {  	_ =	shalt  }
0x52: {  	_ =	shalt  }
0x53: {  	_ =	shalt  }
0x54: {  	_ =	shalt  }
0x55: {  	_ =	shalt  }
0x56: {  	_ =	shalt  }
0x57: {  	_ =	shalt  }
0x58: {  	_ =	shalt  }
0x59: {  	_ =	shalt  }
0x5a: {  	_ =	shalt  }
0x5b: {  	_ =	shalt  }
0x5c: {  	_ =	shalt  }
0x5d: {  	_ =	shalt  }
0x5e: {  	_ =	shalt  }
0x5f: {  	_ =	shalt  }
0x60: {  	_ =	shalt  }
0x61: {  	_ =	shalt  }
0x62: {  	_ =	shalt  }
0x63: {  	_ =	shalt  }
0x64: {  	_ =	shalt  }
0x65: {  	_ =	shalt  }
0x66: {  	_ =	shalt  }
0x67: {  	_ =	shalt  }
0x68: {  	_ =	shalt  }
0x69: {  	_ =	shalt  }
0x6a: {  	_ =	shalt  }
0x6b: {  	_ =	shalt  }
0x6c: {  	_ =	shalt  }
0x6d: {  	_ =	shalt  }
0x6e: {  	_ =	shalt  }
0x6f: {  	_ =	shalt  }
0x70: {  	_ =	shalt  }
0x71: {  	_ =	shalt  }
0x72: {  	_ =	shalt  }
0x73: {  	_ =	shalt  }
0x74: {  	_ =	shalt  }
0x75: {  	_ =	shalt  }
0x76: {  	_ =	shalt  }
0x77: {  	_ =	shalt  }
0x78: {  	_ =	shalt  }
0x79: {  	_ =	shalt  }
0x7a: {  	_ =	shalt  }
0x7b: {  	_ =	shalt  }
0x7c: {  	_ =	shalt  }
0x7d: {  	_ =	shalt  }
0x7e: {  	_ =	shalt  }
0x7f: {  	_ =	shalt  }
0x80: {  	_ =	shalt  }
0x81: {  	_ =	shalt  }
0x82: {  	_ =	shalt  }
0x83: {  	_ =	shalt  }
0x84: {  	_ =	shalt  }
0x85: {  	_ =	shalt  }
0x86: {  	_ =	shalt  }
0x87: {  	_ =	shalt  }
.Lfunc_end0:
.L_simem_size_0:
called_computation_lowered:
.L_overlay_start_0:
0x88: {  	s2 =	sld [smem:$0x3FD9]  }
0x89: {  	s3 =	sld [smem:$0x3FFE];
	_ =	sdelay $0x1  }
0x8a: {  	s1 =	srdreg.scid  }
0x8b: {  	s0 =	sand.u32 $0x1, s1  }
0x8c: {  	s17 =	sshll.u32 s0, $0xA;
	s2 =	sadd.s32 s3, s2  }
0x8d: {  	s2 =	sadd.s32 s2, s17  }
0x8e: {  	[smem:$0x3FB9] =	sst s2  }
0x8f: {  	_ = 	snop  }
0x90: {  	s2 =	sld [smem:$0x3FD0];
	(tm) =	ssettm $0x1  }
0x91: {  	s18 =	sld [smem:$0x3FFB];
	_ =	sdelay $0x3  }
0x92: {  	_ =	strace s18  }
0x93: {  	s3 =	sld [smem:$0x3FFC];
	_ =	sdelay $0x3  }
0x94: {  	_ =	strace s3  }
0x95: {  	s3 =	sld [smem:$0x3FFD];
	_ =	sdelay $0x3  }
0x96: {  	_ =	strace s3  }
0x97: {  	_ =	strace $0x8FFFFFFF  }
0x98: {  	s19 =	sld [smem:$0x3FDB];
	_ =	sdelay $0x1  }
0x99: {  	s4 =	simm.s32 $_scs_section_size  }
0x9a: {  	s5 =	simm.s32 $_size__tile_overlayer_lowered;
	s6 =	simm.s32 $_tile_overlayer_lowered  }
0x9b: {  	s22 =	simm.s32 $0x1BFF;
	s21 =	sshll.u32 s6, $0x1;
	s3 =	sadd.s32 s4, s19  }
0x9c: {  	s7 =	simm.s32 $0x0;
	s20 =	sshll.u32 s5, $0x1;
	s5 =	sadd.s32 s21, s3  }
0x9d: {  	[timem:s7], [sflag:s22] =	dma.local [hbm:s5], s20  }
0x9e: {  	_ =	swait.ge [sflag:s22], s20  }
0x9f: {  	s4 =	ssub.s32 $0x0, s20;
	[sflag:s22] =	ssyncset.done $0x0  }
0xa0: {  	[sflag:s22] =	ssyncadd.s32 s4;
	_ =	sdelay $0x1  }
0xa1: {  	s23 =	simm.s32 $0x1B8B  }
0xa2: {  	_ =	swait.ge [sflag:s23], $0x1  }
0xa3: {  	[sflag:s23] =	ssyncset.done $0x0  }
0xa4: {  	s25 =	simm.s32 $0x1B8E;
	s24 =	sld [smem:$0x3FFE];
	[sflag:s23] =	ssyncadd.s32 $0xFFFFFFFF  }
0xa5: {  	s26 =	simm.s32 $execute0_lowered;
	[smem:$0x3FD2] =	sst s25  }
0xa6: {  	s5 =	sshll.u32 s26, $0x1;
	_ =	strace $0x80000046;
	[dreg:$0x1] =	wrdreg $0xFFFFFFFF  }
0xa7: {  	s28 =	simm.s32 $_size_execute0_lowered;
	s3 =	sadd.s32 s3, s5;
	[dreg:$0x0] =	wrdreg $0x0  }
0xa8: {  	s5 =	sshll.u32 s28, $0x1;
	[dreg:$0x2] =	wrdreg s3  }
0xa9: {  	[dreg:$0x3] =	wrdreg s5  }
0xaa: {  	[dreg:$0x4] =	wrdreg $0xC0  }
0xab: {  	_ =	task [dreg:s7], $0x5FFFF  }
0xac: {  	[dreg:$0x1] =	wrdreg $0xFFFFFFFF  }
0xad: {  	[dreg:$0x0] =	wrdreg $0x60  }
0xae: {  	[dreg:$0x2] =	wrdreg s2  }
0xaf: {  	[dreg:$0x3] =	wrdreg s24  }
0xb0: {  	[dreg:$0x4] =	wrdreg $0x9  }
0xb1: {  	_ =	task.clear_ibuf [dreg:s7], $0x5FFFF;
	_ =	strace $0x90000046  }
0xb2: {  	s29 =	simm.s32 $0x9;
	_ =	strace $0x80000048  }
0xb3: {  	_ =	swait.ge [sflag:s29], $0x1  }
0xb4: {  	[sflag:s29] =	ssyncadd.s32 $0xFFFFFFFF  }
0xb5: {  	_ =	strace $0x90000048  }
0xb6: {  	_ =	sfence  }
0xb7: {  	s30 =	sld [smem:$0x0];
	_ =	sdelay $0x2  }
0xb8: {  	s31 =	sshll.u32 s1, $0xD;
	s1 =	sshrl.u32 s1, $0x2  }
0xb9: {  	s3 =	sand.u32 $0x4000, s31;
	s1 =	sadd.s32 s1, s30  }
0xba: {  	s0 =	sor.u32 s3, s0;
	s1 =	sshll.u32 s1, $0x11  }
0xbb: {  	s0 =	sor.u32 s1, s0  }
0xbc: {  	s0 =	sadd.s32 $0x8F2B, s0  }
0xbd: {  	[sflag:s0] =	ssyncadd.remote.s32 $0x1  }
0xbe: {  	_ =	sfence.sel $0xFFFF  }
0xbf: {  	[dreg:$0x0] =	wrdreg $0xFFFFFFFF;
	(pc) =	sbr.abs _section_cstart, $3  }
0xc0: {  	[dreg:$0x1] =	wrdreg $0xFFFFFFFF  }
0xc1: {  	_ =	task.clear_ibuf [dreg:s7], $0x2FFFF;
	_ =	strace $0x9FFFFFFF  }
0xc2: {  	(tm) =	ssettm $0x7FFFFFFF  }
0xc3: {  	_ =	shalt  }
tec
execute0_lowered:
.L_overlay_start_1:
0x0: {  	(tag) =	ssettag $0x1  }
0x1: {  	s1 =	srdreg.scid  }
0x2: {  	s0 =	stileid.u32;
	s2 =	rddreg [dreg:$0x0]  }
0x3: {  	s5 =	rddreg [dreg:$0x1];
	s3 =	simm.s32 $0x0;
	s9 =	simm.s32 $0x1  }
0x4: {  	s10 =	simm.s32 $0x10;
	s4 =	sand.u32 $0x1, s1;
	s30 =	sshll.u32 s0, $0x1  }
0x5: {  	s11 =	simm.s32 $0x1400;
	s12 =	simm.s32 $0x0;
	s6 =	sor.u32 s4, s30  }
0x6: {  	s1 =	rddreg [dreg:$0x2];
	s4 =	ssub.s32 $0x2, s4;
	s7 =	smul.u32 $0x280, s6  }
0x7: {  	[smem:$0x7FF] =	sst s3;
	s6 =	smul.u32 $0x13880, s6;
	s8 =	sshrl.u32 s4, $0x1  }
0x8: {  	_ =	strace $0x80000047;
	s31 =	ssub.s32 s4, s8;
	s8 =	simm.s32 $0x80  }
0x9: {  	s7 =	sadd.s32 s7, s5;
	s5 =	sadd.s32 s6, s5;
	s6 =	smax.u32 s31, $0x1  }
0xa: {  	s4 =	sadd.s32 $0x5800, s7;
	s5 =	sadd.s32 $0x31A00, s5;
	s7 =	simm.s32 $0x2  }
.LBB2_1:
0xb: {  	[tilespmem:s3], [sflag:$0x2] =	stream.linear.gather [hbm4b:s4+s3], $0x1400, $0x38;
	[tilespmem:$0x15400] =	vst v63  }
0xc: {  	_ =	swait.ge [sflag:s7], $0x1400  }
0xd: {  	[sflag:s7] =	ssyncset.done $0x0  }
0xe: {  	s13 =	simm.s32 $0x1400;
	s14 =	simm.s32 $0x0;
	[sflag:s7] =	ssyncadd.s32 $0xFFFFEC00  }
.LBB2_2:
0xf: {  	p0 =	sne.s32 s14, $0x4E00  }
.Ltmp0:
0x10: {  	_ = 	snop;
	(pc) =	sbr.rel @p0 .LBB2_2-.Ltmp0, $4  }
0x11: {  	_ = 	snop  }
0x12: {  	s15 =	sshra.s32 s14, $0x2  }
0x13: {  	[tilespmem:s13], [sflag:$0x1] =	stream.indirect.gather [hbm4b:s2+s8], $0x10, s15, s8, $0xb8;
	[tilespmem:$0x15400] =	vst v63  }
0x14: {  	s14 =	sadd.s32 $0x200, s14;
	s13 =	sadd.s32 $0x800, s13  }
0x15: {  	_ =	swait.ge [sflag:s9], $0x800  }
0x16: {  	s13 =	simm.s32 $0x27;
	[sflag:s9] =	ssyncset.done $0x0  }
.LBB2_4:
0x17: {  	p0 =	sne.s32 s13, $0x1;
	s13 =	sadd.s32 $0xFFFFFFFF, s13;
	[sflag:s9] =	ssyncadd.s32 $0xFFFFF800  }
.Ltmp1:
0x18: {  	(pc) =	sbr.rel @p0 .LBB2_4-.Ltmp1, $3  }
0x19: {  	_ =	sdelay $0x1  }
0x1a: {  	_ =	swait.ge [sflag:s9], $0x800  }
0x1b: {  	[sflag:s9] =	ssyncset.done $0x0  }
0x1c: {  	s12 =	sadd.s32 $0x1, s12  }
0x1d: {  	p0 =	sne.s32 s12, s6  }
.Ltmp2:
0x1e: {  	[sflag:s9] =	ssyncadd.s32 $0xFFFFF800;
	(pc) =	sbr.rel @p0 .LBB2_1-.Ltmp2, $4  }
0x1f: {  	[hbm4b:s5+s10] =	stream.strided.scatter [tilespmem:s11], [sflag:$0x2], $0x13880, s8, s10, $0x38;
	[tilespmem:$0x15400] =	vst v63  }
0x20: {  	_ =	swait.ge [sflag:s7], $0x13880  }
0x21: {  	[sflag:s7] =	ssyncset.done $0x0  }
0x22: {  	[sflag:s7] =	ssyncadd.s32 $0xFFFEC780  }
0x23: {  	_ =	sfence.sel $0x180000  }
0x24: {  	[bflag:$0x0] =	sbarrier.arrive $0xFFFF  }
0x25: {  	p0 =	sne.s32 s0, $0x0;
	_ =	strace $0x90000047  }
0x26: {  	s0 =	sadd.s32 @!p0 $0x100000, s1;
	[bflag:$0x2] =	sbarrier.arrive $0xFFFF  }
0x27: {  	[sflag:s0] =	ssyncadd.tile.s32 @!p0 $0x1;
	_ =	shalt  }
.Lfunc_end2:
_tile_overlayer_lowered:
.L_overlay_start_2:
0x28: {  	(tag) =	ssettag $0x2  }
0x29: {  	s0 =	rddreg [dreg:$0x0];
	s2 =	stileid.u32  }
0x2a: {  	s1 =	rddreg [dreg:$0x1];
	p0 =	sne.s32 s2, $0x0  }
0x2b: {  	s3 =	rddreg [dreg:$0x2];
	[bflag:$0x3] =	sbarrier.arrive $0xFFFF;
	s2 =	simm.s32 @!p0 $0x1C02  }
0x2c: {  	[timem:s3], [sflag:s2] =	dma.local @!p0 [hbm:s0], s1  }
0x2d: {  	s0 =	simm.s32 @!p0 $0x2  }
0x2e: {  	_ =	swait.ge @!p0 [sflag:s0], s1  }
0x2f: {  	s1 =	ssub.s32 @!p0 $0x0, s1;
	[sflag:s0] =	ssyncset.done @!p0 $0x0  }
0x30: {  	[sflag:s0] =	ssyncadd.s32 @!p0 s1  }
0x31: {  	[bflag:$0x3] =	sbarrier.arrive $0xFFFF  }
0x32: {  	_ =	shalt  }

// kernel: kernel.13.cloned.1.call-start
scs
__scs_entry_jumppad:
0x0: {  	(pc) =	sbr.rel $0x88, $3  }
0x1: {  	(tag) =	ssettag $0x0;
	lr =	simm.s32 $0x1  }
0x2: {  	[smem:$0x3F92] =	sst lr;
	_ =	strace $0xD0000000  }
0x3: {  	_ = 	snop  }
0x4: {  	_ = 	snop  }
0x5: {  	_ = 	snop  }
0x6: {  	_ = 	snop  }
0x7: {  	_ = 	snop  }
__scs_overlays_trampoline_lowered:
0x8: {  	[smem:$0x3FA1] =	sst s0  }
0x9: {  	[smem:$0x3FA2] =	sst s1  }
0xa: {  	[smem:$0x3FA3] =	sst s2  }
0xb: {  	[smem:$0x3FA4] =	sst s3  }
0xc: {  	[smem:$0x3FA5] =	sst s4  }
0xd: {  	[smem:$0x3FA6] =	sst s5  }
0xe: {  	[smem:$0x3FA7] =	sst s6  }
0xf: {  	[smem:$0x3FA8] =	sst s7  }
0x10: {  	[smem:$0x3FA9] =	sst s8  }
0x11: {  	[smem:$0x3FAA] =	sst s9;
	s0 =	simm.s32 @!p0 $0x0  }
0x12: {  	s1 =	sld [smem:$0x3F90];
	s0 =	simm.s32 @p0 $0x1  }
0x13: {  	[smem:$0x3FAB] =	sst s0;
	s0 =	simm.s32 @!p1 $0x0  }
0x14: {  	s2 =	sld [smem:$0x3F8F];
	s0 =	simm.s32 @p1 $0x1  }
0x15: {  	[smem:$0x3FAC] =	sst s0;
	s0 =	simm.s32 @!p2 $0x0  }
0x16: {  	s3 =	sld [smem:$0x3FDB];
	s0 =	simm.s32 @p2 $0x1  }
0x17: {  	s4 =	simm.s32 $0x1BF5;
	[smem:$0x3FAE] =	sst s0  }
0x18: {  	s0 =	sld [smem:$0x3F91];
	_ =	swait.ge [sflag:s4], $0x0  }
0x19: {  	s7 =	sld [smem:$0x3F92]  }
0x1a: {  	s8 =	sadd.s32 $0xFFFFE003, lr  }
0x1b: {  	s9 =	sadd.s32 $0xFFFFFEF7, lr;
	s5 =	simm.s32 $0xFFFFFFFF;
	p2 =	slt.u32 s8, $0xFFFFF086  }
0x1c: {  	p1 =	slt.u32 s9, $0xF7A;
	s5 =	simm.s32 @!p2 $0x0  }
0x1d: {  	s5 =	simm.s32 @p1 $0x1;
	p0 =	seq.s32 s7, s2  }
0x1e: {  	s7 =	smul.u32 @!p0 $0xF7A, s2;
	p2 =	seq.s32 @!p0 s5, $0x0  }
0x1f: {  	s9 =	smul.u32 $0xF7A, s1;
	s8 =	simm.s32 @!p0 $0x1BF5;
	p2 =	por !p2, p0  }
0x20: {  	[sflag:s8] =	ssyncset.s32 @!p0 $0xFFFFF086;
	s6 =	sadd.s32 @!p0 s3, s7;
	s7 =	simm.s32 @!p0 $0x108  }
0x21: {  	s3 =	sadd.s32 s3, s9;
	s6 =	sadd.s32 @!p0 $0x88, s6;
	s7 =	simm.s32 @p2 $0x1082  }
0x22: {  	[simem:s7], [sflag:s8] =	dma.local @!p0 [hbm:s6], $0xF7A  }
0x23: {  	s9 =	sor.u32 $0xD0000000, s2;
	s6 =	simm.s32 $0x108;
	_ =	swait.ge @!p0 [sflag:s8], $0x0  }
0x24: {  	s3 =	sadd.s32 $0x88, s3;
	s6 =	simm.s32 @!p1 $0x1082;
	[sflag:s4] =	ssyncset.s32 $0xFFFFF086  }
0x25: {  	[simem:s6], [sflag:s4] =	dma.local [hbm:s3], $0xF7A  }
0x26: {  	[smem:$0x3F92] =	sst s1;
	(tag) =	ssettag s2;
	_ =	strace s9  }
0x27: {  	s1 =	sld [smem:$0x3FA2]  }
0x28: {  	s2 =	sld [smem:$0x3FA3]  }
0x29: {  	s4 =	sld [smem:$0x3FA5]  }
0x2a: {  	p0 =	seq.s32 s5, $0x0;
	s5 =	sld [smem:$0x3FA6]  }
0x2b: {  	s6 =	sld [smem:$0x3FA7]  }
0x2c: {  	s7 =	sld [smem:$0x3FA8]  }
0x2d: {  	s3 =	simm.s32 $0x108;
	s8 =	sld [smem:$0x3FA9]  }
0x2e: {  	s3 =	simm.s32 @!p0 $0x1082;
	s9 =	sld [smem:$0x3FAA]  }
0x2f: {  	lr =	sadd.s32 s0, s3;
	s0 =	sld [smem:$0x3FA1]  }
0x30: {  	s3 =	sld [smem:$0x3FA4]  }
0x31: {  	[smem:$0x3FAD] =	sst s10  }
0x32: {  	s10 =	sld [smem:$0x3FAB];
	_ =	sdelay $0x3  }
0x33: {  	p0 =	seq.s32 s10, $0x1;
	s10 =	sld [smem:$0x3FAD];
	_ =	sdelay $0x3  }
0x34: {  	[smem:$0x3FAD] =	sst s10  }
0x35: {  	s10 =	sld [smem:$0x3FAC];
	_ =	sdelay $0x3  }
0x36: {  	p1 =	seq.s32 s10, $0x1;
	s10 =	sld [smem:$0x3FAD];
	_ =	sdelay $0x3  }
0x37: {  	[smem:$0x3FAD] =	sst s10  }
0x38: {  	s10 =	sld [smem:$0x3FAE]  }
0x39: {  	_ = 	snop;
	(pc) =	sbr.ind lr, $3  }
0x3a: {  	_ = 	snop  }
0x3b: {  	_ = 	snop  }
0x3c: {  	p2 =	seq.s32 s10, $0x1;
	s10 =	sld [smem:$0x3FAD]  }
0x3d: {  	_ =	shalt  }
0x3e: {  	_ =	shalt  }
0x3f: {  	_ =	shalt  }
0x40: {  	_ =	shalt  }
0x41: {  	_ =	shalt  }
0x42: {  	_ =	shalt  }
0x43: {  	_ =	shalt  }
0x44: {  	_ =	shalt  }
0x45: {  	_ =	shalt  }
0x46: {  	_ =	shalt  }
0x47: {  	_ =	shalt  }
0x48: {  	_ =	shalt  }
0x49: {  	_ =	shalt  }
0x4a: {  	_ =	shalt  }
0x4b: {  	_ =	shalt  }
0x4c: {  	_ =	shalt  }
0x4d: {  	_ =	shalt  }
0x4e: {  	_ =	shalt  }
0x4f: {  	_ =	shalt  }
0x50: {  	_ =	shalt  }
0x51: {  	_ =	shalt  }
0x52: {  	_ =	shalt  }
0x53: {  	_ =	shalt  }
0x54: {  	_ =	shalt  }
0x55: {  	_ =	shalt  }
0x56: {  	_ =	shalt  }
0x57: {  	_ =	shalt  }
0x58: {  	_ =	shalt  }
0x59: {  	_ =	shalt  }
0x5a: {  	_ =	shalt  }
0x5b: {  	_ =	shalt  }
0x5c: {  	_ =	shalt  }
0x5d: {  	_ =	shalt  }
0x5e: {  	_ =	shalt  }
0x5f: {  	_ =	shalt  }
0x60: {  	_ =	shalt  }
0x61: {  	_ =	shalt  }
0x62: {  	_ =	shalt  }
0x63: {  	_ =	shalt  }
0x64: {  	_ =	shalt  }
0x65: {  	_ =	shalt  }
0x66: {  	_ =	shalt  }
0x67: {  	_ =	shalt  }
0x68: {  	_ =	shalt  }
0x69: {  	_ =	shalt  }
0x6a: {  	_ =	shalt  }
0x6b: {  	_ =	shalt  }
0x6c: {  	_ =	shalt  }
0x6d: {  	_ =	shalt  }
0x6e: {  	_ =	shalt  }
0x6f: {  	_ =	shalt  }
0x70: {  	_ =	shalt  }
0x71: {  	_ =	shalt  }
0x72: {  	_ =	shalt  }
0x73: {  	_ =	shalt  }
0x74: {  	_ =	shalt  }
0x75: {  	_ =	shalt  }
0x76: {  	_ =	shalt  }
0x77: {  	_ =	shalt  }
0x78: {  	_ =	shalt  }
0x79: {  	_ =	shalt  }
0x7a: {  	_ =	shalt  }
0x7b: {  	_ =	shalt  }
0x7c: {  	_ =	shalt  }
0x7d: {  	_ =	shalt  }
0x7e: {  	_ =	shalt  }
0x7f: {  	_ =	shalt  }
0x80: {  	_ =	shalt  }
0x81: {  	_ =	shalt  }
0x82: {  	_ =	shalt  }
0x83: {  	_ =	shalt  }
0x84: {  	_ =	shalt  }
0x85: {  	_ =	shalt  }
0x86: {  	_ =	shalt  }
0x87: {  	_ =	shalt  }
.Lfunc_end0:
.L_simem_size_0:
called_computation.1_lowered:
.L_overlay_start_0:
0x88: {  	s2 =	sld [smem:$0x3FD9]  }
0x89: {  	s3 =	sld [smem:$0x3FFE];
	_ =	sdelay $0x1  }
0x8a: {  	s1 =	srdreg.scid  }
0x8b: {  	s0 =	sand.u32 $0x1, s1  }
0x8c: {  	s16 =	sshll.u32 s0, $0xA;
	s2 =	sadd.s32 s3, s2  }
0x8d: {  	s2 =	sadd.s32 s2, s16  }
0x8e: {  	[smem:$0x3FB9] =	sst s2  }
0x8f: {  	_ = 	snop  }
0x90: {  	(tm) =	ssettm $0x1  }
0x91: {  	s17 =	sld [smem:$0x3FFB];
	_ =	sdelay $0x3  }
0x92: {  	_ =	strace s17  }
0x93: {  	s2 =	sld [smem:$0x3FFC];
	_ =	sdelay $0x3  }
0x94: {  	_ =	strace s2  }
0x95: {  	s2 =	sld [smem:$0x3FFD];
	_ =	sdelay $0x3  }
0x96: {  	_ =	strace s2  }
0x97: {  	_ =	strace $0x8FFFFFFF  }
0x98: {  	s18 =	sld [smem:$0x3FDB];
	_ =	sdelay $0x1  }
0x99: {  	s19 =	simm.s32 $_scs_section_size  }
0x9a: {  	s4 =	simm.s32 $_size__tile_overlayer_lowered;
	s5 =	simm.s32 $_tile_overlayer_lowered  }
0x9b: {  	s22 =	simm.s32 $0x1BFF;
	s21 =	sshll.u32 s5, $0x1;
	s2 =	sadd.s32 s19, s18  }
0x9c: {  	s6 =	simm.s32 $0x0;
	s20 =	sshll.u32 s4, $0x1;
	s4 =	sadd.s32 s21, s2  }
0x9d: {  	[timem:s6], [sflag:s22] =	dma.local [hbm:s4], s20  }
0x9e: {  	_ =	swait.ge [sflag:s22], s20  }
0x9f: {  	s3 =	ssub.s32 $0x0, s20;
	[sflag:s22] =	ssyncset.done $0x0  }
0xa0: {  	[sflag:s22] =	ssyncadd.s32 s3;
	_ =	sdelay $0x1  }
0xa1: {  	s23 =	simm.s32 $0x1B8B  }
0xa2: {  	_ =	swait.ge [sflag:s23], $0x1  }
0xa3: {  	[sflag:s23] =	ssyncset.done $0x0  }
0xa4: {  	s25 =	simm.s32 $0x1B8E;
	s24 =	sld [smem:$0x3FFE];
	[sflag:s23] =	ssyncadd.s32 $0xFFFFFFFF  }
0xa5: {  	s26 =	simm.s32 $execute0_lowered;
	[smem:$0x3FD2] =	sst s25  }
0xa6: {  	s4 =	sshll.u32 s26, $0x1;
	_ =	strace $0x80000049;
	[dreg:$0x1] =	wrdreg $0xFFFFFFFF  }
0xa7: {  	s28 =	simm.s32 $_size_execute0_lowered;
	s2 =	sadd.s32 s2, s4;
	[dreg:$0x0] =	wrdreg $0x0  }
0xa8: {  	s4 =	sshll.u32 s28, $0x1;
	[dreg:$0x2] =	wrdreg s2  }
0xa9: {  	[dreg:$0x3] =	wrdreg s4  }
0xaa: {  	[dreg:$0x4] =	wrdreg $0xC0  }
0xab: {  	_ =	task [dreg:s6], $0x5FFFF  }
0xac: {  	[dreg:$0x1] =	wrdreg $0xFFFFFFFF  }
0xad: {  	[dreg:$0x0] =	wrdreg $0x60  }
0xae: {  	[dreg:$0x2] =	wrdreg s24  }
0xaf: {  	[dreg:$0x3] =	wrdreg $0x183800  }
0xb0: {  	[dreg:$0x4] =	wrdreg $0x1AB000  }
0xb1: {  	[dreg:$0x5] =	wrdreg $0x9  }
0xb2: {  	_ =	task.clear_ibuf [dreg:s6], $0x6FFFF;
	_ =	strace $0x90000049  }
0xb3: {  	s29 =	simm.s32 $0x9;
	_ =	strace $0x8000004B  }
0xb4: {  	_ =	swait.ge [sflag:s29], $0x1  }
0xb5: {  	[sflag:s29] =	ssyncadd.s32 $0xFFFFFFFF  }
0xb6: {  	_ =	strace $0x9000004B  }
0xb7: {  	_ =	sfence  }
0xb8: {  	s30 =	sld [smem:$0x0];
	_ =	sdelay $0x2  }
0xb9: {  	s31 =	sshll.u32 s1, $0xD;
	s1 =	sshrl.u32 s1, $0x2  }
0xba: {  	s3 =	sand.u32 $0x4000, s31;
	s1 =	sadd.s32 s1, s30  }
0xbb: {  	s0 =	sor.u32 s3, s0;
	s1 =	sshll.u32 s1, $0x11  }
0xbc: {  	s0 =	sor.u32 s1, s0  }
0xbd: {  	s0 =	sadd.s32 $0x8F2B, s0  }
0xbe: {  	[sflag:s0] =	ssyncadd.remote.s32 $0x1  }
0xbf: {  	_ =	sfence.sel $0xFFFF  }
0xc0: {  	[dreg:$0x0] =	wrdreg $0xFFFFFFFF;
	(pc) =	sbr.abs _section_cstart, $3  }
0xc1: {  	[dreg:$0x1] =	wrdreg $0xFFFFFFFF  }
0xc2: {  	_ =	task.clear_ibuf [dreg:s6], $0x2FFFF;
	_ =	strace $0x9FFFFFFF  }
0xc3: {  	(tm) =	ssettm $0x7FFFFFFF  }
tec
execute0_lowered:
.L_overlay_start_1:
0x0: {  	(tag) =	ssettag $0x1  }
0x1: {  	s5 =	rddreg [dreg:$0x0]  }
0x2: {  	s1 =	srdreg.scid;
	s2 =	rddreg [dreg:$0x1]  }
0x3: {  	s0 =	stileid.u32;
	s3 =	rddreg [dreg:$0x2];
	s4 =	simm.s32 $0x0  }
0x4: {  	s11 =	simm.s32 $0x80;
	s12 =	simm.s32 $0x2;
	s13 =	simm.s32 $0x14000  }
0x5: {  	s14 =	simm.s32 $0x15C00;
	s15 =	simm.s32 $0x15400;
	s16 =	simm.s32 $0x1  }
0x6: {  	s6 =	sand.u32 $0x1, s1;
	s30 =	sshll.u32 s0, $0x1;
	s18 =	smul.u32 $0x2780, s0  }
0x7: {  	s1 =	rddreg [dreg:$0x3];
	s7 =	sor.u32 s6, s30;
	s9 =	smul.u32 $0x27800, s6  }
0x8: {  	[smem:$0x7FF] =	sst s4;
	s6 =	ssub.s32 $0x2, s6;
	s8 =	smul.u32 $0x13880, s7  }
0x9: {  	_ =	strace $0x8000004A;
	s7 =	smul.u32 $0x280, s7;
	s31 =	sshrl.u32 s6, $0x1  }
0xa: {  	s9 =	sadd.s32 s9, s5;
	s10 =	ssub.s32 s6, s31;
	s8 =	sadd.s32 s8, s5  }
0xb: {  	s7 =	sadd.s32 s7, s5;
	s17 =	sadd.s32 $0x31A00, s9;
	s19 =	sadd.s32 $0x80A00, s9  }
0xc: {  	s9 =	smax.u32 s10, $0x1;
	s10 =	simm.s32 $0x10;
	s5 =	sadd.s32 $0x518A00, s8  }
0xd: {  	s6 =	sadd.s32 $0x2A2A00, s7;
	s7 =	sadd.s32 s18, s2;
	s8 =	sadd.s32 s18, s3  }
0xe: {  	v0 =	vimm.f32 $0.0e+00;
	v1 =	vimm.f32 $1.000000000e+00;
	s17 =	sadd.s32 s18, s17;
	s18 =	sadd.s32 s18, s19;
	s19 =	simm.s32 $0x0  }
.LBB2_1:
0xf: {  	[tilespmem:s4], [sflag:$0x2] =	stream.strided.gather [hbm4b:s5+s10], $0x13880, s11, s10, $0x38;
	[tilespmem:$0x1D280] =	vst v63  }
0x10: {  	_ =	swait.ge [sflag:s12], $0x13880  }
0x11: {  	[sflag:s12] =	ssyncset.done $0x0  }
0x12: {  	[sflag:s12] =	ssyncadd.s32 $0xFFFEC780  }
0x13: {  	[tilespmem:s13], [sflag:$0x2] =	stream.linear.gather [hbm4b:s6+s4], $0x1400, $0x38;
	[tilespmem:$0x1D280] =	vst v63  }
0x14: {  	_ =	swait.ge [sflag:s12], $0x1400  }
0x15: {  	[sflag:s12] =	ssyncset.done $0x0  }
0x16: {  	s20 =	simm.s32 $0x0;
	[sflag:s12] =	ssyncadd.s32 $0xFFFFEC00  }
.LBB2_2:
0x17: {  	p0 =	sne.s32 s20, $0x9DC0  }
.Ltmp0:
0x18: {  	_ = 	snop;
	(pc) =	sbr.rel @p0 .LBB2_2-.Ltmp0, $3  }
0x19: {  	_ =	sdelay $0x1  }
0x1a: {  	s21 =	sshra.s32 s20, $0x2  }
0x1b: {  	s20 =	sadd.s32 $0x40, s20;
	[tilespmem:s21+$0x15C00] =	vst v0  }
0x1c: {  	s20 =	simm.s32 $0x40;
	s21 =	simm.s32 $0x0  }
.LBB2_4:
0x1d: {  	p0 =	sne.s32 s20, $0x1DC0;
	[tilespmem:s21+$0x13880] =	vst v0;
	s21 =	smov.u32 s20;
	s20 =	sadd.s32 $0x40, s20  }
.Ltmp1:
0x1e: {  	(pc) =	sbr.rel @p0 .LBB2_4-.Ltmp1, $2  }
0x1f: {  	_ =	sdelay $0x2  }
0x20: {  	s21 =	sshra.s32 s21, $0x2  }
0x21: {  	[tilespmem:s21+$0x13880] =	vst v0  }
0x22: {  	[spmem:s7] =	stream.linear.scatter [tilespmem:s14], [sflag:$0x2], $0x2780, $0x38;
	[tilespmem:$0x1D280] =	vst v63  }
0x23: {  	_ =	swait.ge [sflag:s12], $0x2780  }
0x24: {  	[sflag:s12] =	ssyncset.done $0x0  }
0x25: {  	s20 =	simm.s32 $0x40;
	s21 =	simm.s32 $0x0;
	[sflag:s12] =	ssyncadd.s32 $0xFFFFD880  }
.LBB2_6:
0x26: {  	p0 =	sne.s32 s20, $0x1FC0;
	[tilespmem:s21+$0x15400] =	vst v1;
	s21 =	smov.u32 s20;
	s20 =	sadd.s32 $0x40, s20  }
.Ltmp2:
0x27: {  	(pc) =	sbr.rel @p0 .LBB2_6-.Ltmp2, $2  }
0x28: {  	_ =	sdelay $0x2  }
0x29: {  	s21 =	sshra.s32 s21, $0x2  }
0x2a: {  	[tilespmem:s21+$0x15400] =	vst v1  }
0x2b: {  	[spmem:s8] =	stream.linear.scatter [tilespmem:s14], [sflag:$0x2], $0x2780, $0x38;
	[tilespmem:$0x1D280] =	vst v63  }
0x2c: {  	_ =	swait.ge [sflag:s12], $0x2780  }
0x2d: {  	[sflag:s12] =	ssyncset.done $0x0  }
0x2e: {  	[sflag:s12] =	ssyncadd.s32 $0xFFFFD880  }
0x2f: {  	s20 =	simm.s32 $0x0;
	s31 =	simm.s32 $0x14000;
	[bflag:$0x0] =	sbarrier.arrive $0xFFFF  }
0x30: {  	[spmem:s2] =	stream.indirect.scatter.add.f32 [tilespmem:s20], [sflag:$0x1], $0x10, s31, s11, $0xb8;
	[tilespmem:$0x1D280] =	vst v63  }
0x31: {  	s21 =	simm.s32 $0x200  }
0x32: {  	[spmem:s3] =	stream.indirect.scatter.add.f32 [tilespmem:s15], [sflag:$0x1], $0x10, s31, s11, $0xb8;
	[tilespmem:$0x1D280] =	vst v63  }
.LBB2_8:
0x33: {  	p0 =	sne.s32 s21, $0x4E00  }
.Ltmp3:
0x34: {  	s22 =	sshra.s32 s21, $0x2;
	s21 =	sadd.s32 $0x200, s21;
	(pc) =	sbr.rel @p0 .LBB2_8-.Ltmp3, $4  }
0x35: {  	s20 =	sadd.s32 $0x800, s20;
	s22 =	sadd.s32 $0x14000, s22  }
0x36: {  	[spmem:s2] =	stream.indirect.scatter.add.f32 [tilespmem:s20], [sflag:$0x1], $0x10, s22, s11, $0xb8;
	[tilespmem:$0x1D280] =	vst v63  }
0x37: {  	_ = 	snop  }
0x38: {  	[spmem:s3] =	stream.indirect.scatter.add.f32 [tilespmem:s15], [sflag:$0x1], $0x10, s22, s11, $0xb8;
	[tilespmem:$0x1D280] =	vst v63  }
0x39: {  	_ =	swait.ge [sflag:s16], $0x800  }
0x3a: {  	[sflag:s16] =	ssyncset.done $0x0  }
0x3b: {  	[sflag:s16] =	ssyncadd.s32 $0xFFFFF800  }
0x3c: {  	_ =	swait.ge [sflag:s16], $0x800  }
0x3d: {  	s20 =	simm.s32 $0x27;
	[sflag:s16] =	ssyncset.done $0x0  }
.LBB2_10:
0x3e: {  	p0 =	sne.s32 s20, $0x1;
	s20 =	sadd.s32 $0xFFFFFFFF, s20;
	[sflag:s16] =	ssyncadd.s32 $0xFFFFF800  }
.Ltmp4:
0x3f: {  	_ =	swait.ge [sflag:s16], $0x800;
	(pc) =	sbr.rel @p0 .LBB2_10-.Ltmp4, $4  }
0x40: {  	[sflag:s16] =	ssyncset.done $0x0  }
0x41: {  	[sflag:s16] =	ssyncadd.s32 $0xFFFFF800  }
0x42: {  	_ =	swait.ge [sflag:s16], $0x800  }
0x43: {  	[sflag:s16] =	ssyncset.done $0x0  }
0x44: {  	[sflag:s16] =	ssyncadd.s32 $0xFFFFF800;
	s20 =	sshll.u32 s0, $0x6  }
0x45: {  	s21 =	sshrl.u32 s7, $0x3;
	[bflag:$0x0] =	sbarrier.arrive $0xFFFF;
	s20 =	sor.u32 $0x1C02, s20  }
0x46: {  	[hbm:s17@s10], [sflag:s20] =	dma.strided [spmem:s21@s12], $0x4F0, s16, $0x2   }
0x47: {  	s19 =	sadd.s32 $0x1, s19;
	_ =	swait.ge [sflag:s12], $0x4F0  }
0x48: {  	p0 =	sne.s32 s19, s9;
	[sflag:s12] =	ssyncset.done $0x0  }
.Ltmp5:
0x49: {  	s31 =	sshrl.u32 s8, $0x3;
	[sflag:s12] =	ssyncadd.s32 $0xFFFFFB10;
	(pc) =	sbr.rel @p0 .LBB2_1-.Ltmp5, $4  }
0x4a: {  	[hbm:s18@s10], [sflag:s20] =	dma.strided [spmem:s31@s12], $0x4F0, s16, $0x2   }
0x4b: {  	_ =	swait.ge [sflag:s12], $0x4F0  }
0x4c: {  	[sflag:s12] =	ssyncset.done $0x0  }
0x4d: {  	[sflag:s12] =	ssyncadd.s32 $0xFFFFFB10  }
0x4e: {  	_ =	sfence.sel $0x180000  }
0x4f: {  	[bflag:$0x0] =	sbarrier.arrive $0xFFFF  }
0x50: {  	p0 =	sne.s32 s0, $0x0;
	_ =	strace $0x9000004A  }
0x51: {  	s0 =	sadd.s32 @!p0 $0x100000, s1;
	[bflag:$0x2] =	sbarrier.arrive $0xFFFF  }
0x52: {  	[sflag:s0] =	ssyncadd.tile.s32 @!p0 $0x1;
	_ =	shalt  }
.Lfunc_end2:
_tile_overlayer_lowered:
.L_overlay_start_2:
0x53: {  	(tag) =	ssettag $0x2  }
0x54: {  	s0 =	rddreg [dreg:$0x0];
	s2 =	stileid.u32  }
0x55: {  	s1 =	rddreg [dreg:$0x1];
	p0 =	sne.s32 s2, $0x0  }
0x56: {  	s3 =	rddreg [dreg:$0x2];
	[bflag:$0x3] =	sbarrier.arrive $0xFFFF;
	s2 =	simm.s32 @!p0 $0x1C02  }
0x57: {  	[timem:s3], [sflag:s2] =	dma.local @!p0 [hbm:s0], s1  }
0x58: {  	s0 =	simm.s32 @!p0 $0x2  }
0x59: {  	_ =	swait.ge @!p0 [sflag:s0], s1  }
0x5a: {  	s1 =	ssub.s32 @!p0 $0x0, s1;
	[sflag:s0] =	ssyncset.done @!p0 $0x0  }
0x5b: {  	[sflag:s0] =	ssyncadd.s32 @!p0 s1  }
0x5c: {  	[bflag:$0x3] =	sbarrier.arrive $0xFFFF  }
0x5d: {  	_ =	shalt  }

// kernel: kernel.16.cloned.1.call-start
scs
__scs_entry_jumppad:
0x0: {  	(pc) =	sbr.rel $0x88, $3  }
0x1: {  	(tag) =	ssettag $0x0;
	lr =	simm.s32 $0x1  }
0x2: {  	[smem:$0x3F92] =	sst lr;
	_ =	strace $0xD0000000  }
0x3: {  	_ = 	snop  }
0x4: {  	_ = 	snop  }
0x5: {  	_ = 	snop  }
0x6: {  	_ = 	snop  }
0x7: {  	_ = 	snop  }
__scs_overlays_trampoline_lowered:
0x8: {  	[smem:$0x3FA1] =	sst s0  }
0x9: {  	[smem:$0x3FA2] =	sst s1  }
0xa: {  	[smem:$0x3FA3] =	sst s2  }
0xb: {  	[smem:$0x3FA4] =	sst s3  }
0xc: {  	[smem:$0x3FA5] =	sst s4  }
0xd: {  	[smem:$0x3FA6] =	sst s5  }
0xe: {  	[smem:$0x3FA7] =	sst s6  }
0xf: {  	[smem:$0x3FA8] =	sst s7  }
0x10: {  	[smem:$0x3FA9] =	sst s8  }
0x11: {  	[smem:$0x3FAA] =	sst s9;
	s0 =	simm.s32 @!p0 $0x0  }
0x12: {  	s1 =	sld [smem:$0x3F90];
	s0 =	simm.s32 @p0 $0x1  }
0x13: {  	[smem:$0x3FAB] =	sst s0;
	s0 =	simm.s32 @!p1 $0x0  }
0x14: {  	s2 =	sld [smem:$0x3F8F];
	s0 =	simm.s32 @p1 $0x1  }
0x15: {  	[smem:$0x3FAC] =	sst s0;
	s0 =	simm.s32 @!p2 $0x0  }
0x16: {  	s3 =	sld [smem:$0x3FDB];
	s0 =	simm.s32 @p2 $0x1  }
0x17: {  	s4 =	simm.s32 $0x1BF5;
	[smem:$0x3FAE] =	sst s0  }
0x18: {  	s0 =	sld [smem:$0x3F91];
	_ =	swait.ge [sflag:s4], $0x0  }
0x19: {  	s7 =	sld [smem:$0x3F92]  }
0x1a: {  	s8 =	sadd.s32 $0xFFFFE003, lr  }
0x1b: {  	s9 =	sadd.s32 $0xFFFFFEF7, lr;
	s5 =	simm.s32 $0xFFFFFFFF;
	p2 =	slt.u32 s8, $0xFFFFF086  }
0x1c: {  	p1 =	slt.u32 s9, $0xF7A;
	s5 =	simm.s32 @!p2 $0x0  }
0x1d: {  	s5 =	simm.s32 @p1 $0x1;
	p0 =	seq.s32 s7, s2  }
0x1e: {  	s7 =	smul.u32 @!p0 $0xF7A, s2;
	p2 =	seq.s32 @!p0 s5, $0x0  }
0x1f: {  	s9 =	smul.u32 $0xF7A, s1;
	s8 =	simm.s32 @!p0 $0x1BF5;
	p2 =	por !p2, p0  }
0x20: {  	[sflag:s8] =	ssyncset.s32 @!p0 $0xFFFFF086;
	s6 =	sadd.s32 @!p0 s3, s7;
	s7 =	simm.s32 @!p0 $0x108  }
0x21: {  	s3 =	sadd.s32 s3, s9;
	s6 =	sadd.s32 @!p0 $0x88, s6;
	s7 =	simm.s32 @p2 $0x1082  }
0x22: {  	[simem:s7], [sflag:s8] =	dma.local @!p0 [hbm:s6], $0xF7A  }
0x23: {  	s9 =	sor.u32 $0xD0000000, s2;
	s6 =	simm.s32 $0x108;
	_ =	swait.ge @!p0 [sflag:s8], $0x0  }
0x24: {  	s3 =	sadd.s32 $0x88, s3;
	s6 =	simm.s32 @!p1 $0x1082;
	[sflag:s4] =	ssyncset.s32 $0xFFFFF086  }
0x25: {  	[simem:s6], [sflag:s4] =	dma.local [hbm:s3], $0xF7A  }
0x26: {  	[smem:$0x3F92] =	sst s1;
	(tag) =	ssettag s2;
	_ =	strace s9  }
0x27: {  	s1 =	sld [smem:$0x3FA2]  }
0x28: {  	s2 =	sld [smem:$0x3FA3]  }
0x29: {  	s4 =	sld [smem:$0x3FA5]  }
0x2a: {  	p0 =	seq.s32 s5, $0x0;
	s5 =	sld [smem:$0x3FA6]  }
0x2b: {  	s6 =	sld [smem:$0x3FA7]  }
0x2c: {  	s7 =	sld [smem:$0x3FA8]  }
0x2d: {  	s3 =	simm.s32 $0x108;
	s8 =	sld [smem:$0x3FA9]  }
0x2e: {  	s3 =	simm.s32 @!p0 $0x1082;
	s9 =	sld [smem:$0x3FAA]  }
0x2f: {  	lr =	sadd.s32 s0, s3;
	s0 =	sld [smem:$0x3FA1]  }
0x30: {  	s3 =	sld [smem:$0x3FA4]  }
0x31: {  	[smem:$0x3FAD] =	sst s10  }
0x32: {  	s10 =	sld [smem:$0x3FAB];
	_ =	sdelay $0x3  }
0x33: {  	p0 =	seq.s32 s10, $0x1;
	s10 =	sld [smem:$0x3FAD];
	_ =	sdelay $0x3  }
0x34: {  	[smem:$0x3FAD] =	sst s10  }
0x35: {  	s10 =	sld [smem:$0x3FAC];
	_ =	sdelay $0x3  }
0x36: {  	p1 =	seq.s32 s10, $0x1;
	s10 =	sld [smem:$0x3FAD];
	_ =	sdelay $0x3  }
0x37: {  	[smem:$0x3FAD] =	sst s10  }
0x38: {  	s10 =	sld [smem:$0x3FAE]  }
0x39: {  	_ = 	snop;
	(pc) =	sbr.ind lr, $3  }
0x3a: {  	_ = 	snop  }
0x3b: {  	_ = 	snop  }
0x3c: {  	p2 =	seq.s32 s10, $0x1;
	s10 =	sld [smem:$0x3FAD]  }
0x3d: {  	_ =	shalt  }
0x3e: {  	_ =	shalt  }
0x3f: {  	_ =	shalt  }
0x40: {  	_ =	shalt  }
0x41: {  	_ =	shalt  }
0x42: {  	_ =	shalt  }
0x43: {  	_ =	shalt  }
0x44: {  	_ =	shalt  }
0x45: {  	_ =	shalt  }
0x46: {  	_ =	shalt  }
0x47: {  	_ =	shalt  }
0x48: {  	_ =	shalt  }
0x49: {  	_ =	shalt  }
0x4a: {  	_ =	shalt  }
0x4b: {  	_ =	shalt  }
0x4c: {  	_ =	shalt  }
0x4d: {  	_ =	shalt  }
0x4e: {  	_ =	shalt  }
0x4f: {  	_ =	shalt  }
0x50: {  	_ =	shalt  }
0x51: {  	_ =	shalt  }
0x52: {  	_ =	shalt  }
0x53: {  	_ =	shalt  }
0x54: {  	_ =	shalt  }
0x55: {  	_ =	shalt  }
0x56: {  	_ =	shalt  }
0x57: {  	_ =	shalt  }
0x58: {  	_ =	shalt  }
0x59: {  	_ =	shalt  }
0x5a: {  	_ =	shalt  }
0x5b: {  	_ =	shalt  }
0x5c: {  	_ =	shalt  }
0x5d: {  	_ =	shalt  }
0x5e: {  	_ =	shalt  }
0x5f: {  	_ =	shalt  }
0x60: {  	_ =	shalt  }
0x61: {  	_ =	shalt  }
0x62: {  	_ =	shalt  }
0x63: {  	_ =	shalt  }
0x64: {  	_ =	shalt  }
0x65: {  	_ =	shalt  }
0x66: {  	_ =	shalt  }
0x67: {  	_ =	shalt  }
0x68: {  	_ =	shalt  }
0x69: {  	_ =	shalt  }
0x6a: {  	_ =	shalt  }
0x6b: {  	_ =	shalt  }
0x6c: {  	_ =	shalt  }
0x6d: {  	_ =	shalt  }
0x6e: {  	_ =	shalt  }
0x6f: {  	_ =	shalt  }
0x70: {  	_ =	shalt  }
0x71: {  	_ =	shalt  }
0x72: {  	_ =	shalt  }
0x73: {  	_ =	shalt  }
0x74: {  	_ =	shalt  }
0x75: {  	_ =	shalt  }
0x76: {  	_ =	shalt  }
0x77: {  	_ =	shalt  }
0x78: {  	_ =	shalt  }
0x79: {  	_ =	shalt  }
0x7a: {  	_ =	shalt  }
0x7b: {  	_ =	shalt  }
0x7c: {  	_ =	shalt  }
0x7d: {  	_ =	shalt  }
0x7e: {  	_ =	shalt  }
0x7f: {  	_ =	shalt  }
0x80: {  	_ =	shalt  }
0x81: {  	_ =	shalt  }
0x82: {  	_ =	shalt  }
0x83: {  	_ =	shalt  }
0x84: {  	_ =	shalt  }
0x85: {  	_ =	shalt  }
0x86: {  	_ =	shalt  }
0x87: {  	_ =	shalt  }
.Lfunc_end0:
.L_simem_size_0:
called_computation.2_lowered:
.L_overlay_start_0:
0x88: {  	s2 =	sld [smem:$0x3FD9]  }
0x89: {  	s3 =	sld [smem:$0x3FFE];
	_ =	sdelay $0x1  }
0x8a: {  	s1 =	srdreg.scid  }
0x8b: {  	s0 =	sand.u32 $0x1, s1  }
0x8c: {  	s17 =	sshll.u32 s0, $0xA;
	s2 =	sadd.s32 s3, s2  }
0x8d: {  	s2 =	sadd.s32 s2, s17  }
0x8e: {  	[smem:$0x3FB9] =	sst s2  }
0x8f: {  	_ = 	snop  }
0x90: {  	s2 =	sld [smem:$0x3FD0];
	(tm) =	ssettm $0x1  }
0x91: {  	s18 =	sld [smem:$0x3FFB];
	_ =	sdelay $0x3  }
0x92: {  	_ =	strace s18  }
0x93: {  	s3 =	sld [smem:$0x3FFC];
	_ =	sdelay $0x3  }
0x94: {  	_ =	strace s3  }
0x95: {  	s3 =	sld [smem:$0x3FFD];
	_ =	sdelay $0x3  }
0x96: {  	_ =	strace s3  }
0x97: {  	_ =	strace $0x8FFFFFFF  }
0x98: {  	s19 =	sld [smem:$0x3FDB];
	_ =	sdelay $0x1  }
0x99: {  	s4 =	simm.s32 $_scs_section_size  }
0x9a: {  	s5 =	simm.s32 $_size__tile_overlayer_lowered;
	s6 =	simm.s32 $_tile_overlayer_lowered  }
0x9b: {  	s22 =	simm.s32 $0x1BFF;
	s21 =	sshll.u32 s6, $0x1;
	s3 =	sadd.s32 s4, s19  }
0x9c: {  	s7 =	simm.s32 $0x0;
	s20 =	sshll.u32 s5, $0x1;
	s5 =	sadd.s32 s21, s3  }
0x9d: {  	[timem:s7], [sflag:s22] =	dma.local [hbm:s5], s20  }
0x9e: {  	_ =	swait.ge [sflag:s22], s20  }
0x9f: {  	s4 =	ssub.s32 $0x0, s20;
	[sflag:s22] =	ssyncset.done $0x0  }
0xa0: {  	[sflag:s22] =	ssyncadd.s32 s4;
	_ =	sdelay $0x1  }
0xa1: {  	s23 =	simm.s32 $0x1B8B  }
0xa2: {  	_ =	swait.ge [sflag:s23], $0x1  }
0xa3: {  	[sflag:s23] =	ssyncset.done $0x0  }
0xa4: {  	s25 =	simm.s32 $0x1B8E;
	s24 =	sld [smem:$0x3FFE];
	[sflag:s23] =	ssyncadd.s32 $0xFFFFFFFF  }
0xa5: {  	s26 =	simm.s32 $execute0_lowered;
	[smem:$0x3FD2] =	sst s25  }
0xa6: {  	s5 =	sshll.u32 s26, $0x1;
	_ =	strace $0x8000004C;
	[dreg:$0x1] =	wrdreg $0xFFFFFFFF  }
0xa7: {  	s28 =	simm.s32 $_size_execute0_lowered;
	s3 =	sadd.s32 s3, s5;
	[dreg:$0x0] =	wrdreg $0x0  }
0xa8: {  	s5 =	sshll.u32 s28, $0x1;
	[dreg:$0x2] =	wrdreg s3  }
0xa9: {  	[dreg:$0x3] =	wrdreg s5  }
0xaa: {  	[dreg:$0x4] =	wrdreg $0xC0  }
0xab: {  	_ =	task [dreg:s7], $0x5FFFF  }
0xac: {  	[dreg:$0x1] =	wrdreg $0xFFFFFFFF  }
0xad: {  	[dreg:$0x0] =	wrdreg $0x60  }
0xae: {  	[dreg:$0x2] =	wrdreg s2  }
0xaf: {  	[dreg:$0x3] =	wrdreg s24  }
0xb0: {  	[dreg:$0x4] =	wrdreg $0x9  }
0xb1: {  	_ =	task.clear_ibuf [dreg:s7], $0x5FFFF;
	_ =	strace $0x9000004C  }
0xb2: {  	s29 =	simm.s32 $0x9;
	_ =	strace $0x8000004E  }
0xb3: {  	_ =	swait.ge [sflag:s29], $0x1  }
0xb4: {  	[sflag:s29] =	ssyncadd.s32 $0xFFFFFFFF  }
0xb5: {  	_ =	strace $0x9000004E  }
0xb6: {  	_ =	sfence  }
0xb7: {  	s30 =	sld [smem:$0x0];
	_ =	sdelay $0x2  }
0xb8: {  	s31 =	sshll.u32 s1, $0xD;
	s1 =	sshrl.u32 s1, $0x2  }
0xb9: {  	s3 =	sand.u32 $0x4000, s31;
	s1 =	sadd.s32 s1, s30  }
0xba: {  	s0 =	sor.u32 s3, s0;
	s1 =	sshll.u32 s1, $0x11  }
0xbb: {  	s0 =	sor.u32 s1, s0  }
0xbc: {  	s0 =	sadd.s32 $0x8F2B, s0  }
0xbd: {  	[sflag:s0] =	ssyncadd.remote.s32 $0x1  }
0xbe: {  	_ =	sfence.sel $0xFFFF  }
0xbf: {  	[dreg:$0x0] =	wrdreg $0xFFFFFFFF;
	(pc) =	sbr.abs _section_cstart, $3  }
0xc0: {  	[dreg:$0x1] =	wrdreg $0xFFFFFFFF  }
0xc1: {  	_ =	task.clear_ibuf [dreg:s7], $0x2FFFF;
	_ =	strace $0x9FFFFFFF  }
0xc2: {  	(tm) =	ssettm $0x7FFFFFFF  }
0xc3: {  	_ =	shalt  }
tec
execute0_lowered:
.L_overlay_start_1:
0x0: {  	(tag) =	ssettag $0x1  }
0x1: {  	s1 =	srdreg.scid  }
0x2: {  	s0 =	stileid.u32;
	s2 =	rddreg [dreg:$0x0]  }
0x3: {  	s5 =	rddreg [dreg:$0x1];
	s3 =	simm.s32 $0x0;
	s9 =	simm.s32 $0x1  }
0x4: {  	s10 =	simm.s32 $0x10;
	s4 =	sand.u32 $0x1, s1;
	s30 =	sshll.u32 s0, $0x1  }
0x5: {  	s11 =	simm.s32 $0x1400;
	s12 =	simm.s32 $0x0;
	s6 =	sor.u32 s4, s30  }
0x6: {  	s1 =	rddreg [dreg:$0x2];
	s4 =	ssub.s32 $0x2, s4;
	s7 =	smul.u32 $0x280, s6  }
0x7: {  	[smem:$0x7FF] =	sst s3;
	s6 =	smul.u32 $0x13880, s6;
	s8 =	sshrl.u32 s4, $0x1  }
0x8: {  	_ =	strace $0x8000004D;
	s31 =	ssub.s32 s4, s8;
	s8 =	simm.s32 $0x80  }
0x9: {  	s7 =	sadd.s32 s7, s5;
	s5 =	sadd.s32 s6, s5;
	s6 =	smax.u32 s31, $0x1  }
0xa: {  	s4 =	sadd.s32 $0x5800, s7;
	s5 =	sadd.s32 $0x518A00, s5;
	s7 =	simm.s32 $0x2  }
.LBB2_1:
0xb: {  	[tilespmem:s3], [sflag:$0x2] =	stream.linear.gather [hbm4b:s4+s3], $0x1400, $0x38;
	[tilespmem:$0x15400] =	vst v63  }
0xc: {  	_ =	swait.ge [sflag:s7], $0x1400  }
0xd: {  	[sflag:s7] =	ssyncset.done $0x0  }
0xe: {  	s13 =	simm.s32 $0x1400;
	s14 =	simm.s32 $0x0;
	[sflag:s7] =	ssyncadd.s32 $0xFFFFEC00  }
.LBB2_2:
0xf: {  	p0 =	sne.s32 s14, $0x4E00  }
.Ltmp0:
0x10: {  	_ = 	snop;
	(pc) =	sbr.rel @p0 .LBB2_2-.Ltmp0, $4  }
0x11: {  	_ = 	snop  }
0x12: {  	s15 =	sshra.s32 s14, $0x2  }
0x13: {  	[tilespmem:s13], [sflag:$0x1] =	stream.indirect.gather [hbm4b:s2+s8], $0x10, s15, s8, $0xb8;
	[tilespmem:$0x15400] =	vst v63  }
0x14: {  	s14 =	sadd.s32 $0x200, s14;
	s13 =	sadd.s32 $0x800, s13  }
0x15: {  	_ =	swait.ge [sflag:s9], $0x800  }
0x16: {  	s13 =	simm.s32 $0x27;
	[sflag:s9] =	ssyncset.done $0x0  }
.LBB2_4:
0x17: {  	p0 =	sne.s32 s13, $0x1;
	s13 =	sadd.s32 $0xFFFFFFFF, s13;
	[sflag:s9] =	ssyncadd.s32 $0xFFFFF800  }
.Ltmp1:
0x18: {  	(pc) =	sbr.rel @p0 .LBB2_4-.Ltmp1, $3  }
0x19: {  	_ =	sdelay $0x1  }
0x1a: {  	_ =	swait.ge [sflag:s9], $0x800  }
0x1b: {  	[sflag:s9] =	ssyncset.done $0x0  }
0x1c: {  	s12 =	sadd.s32 $0x1, s12  }
0x1d: {  	p0 =	sne.s32 s12, s6  }
.Ltmp2:
0x1e: {  	[sflag:s9] =	ssyncadd.s32 $0xFFFFF800;
	(pc) =	sbr.rel @p0 .LBB2_1-.Ltmp2, $4  }
0x1f: {  	[hbm4b:s5+s10] =	stream.strided.scatter [tilespmem:s11], [sflag:$0x2], $0x13880, s8, s10, $0x38;
	[tilespmem:$0x15400] =	vst v63  }
0x20: {  	_ =	swait.ge [sflag:s7], $0x13880  }
0x21: {  	[sflag:s7] =	ssyncset.done $0x0  }
0x22: {  	[sflag:s7] =	ssyncadd.s32 $0xFFFEC780  }
0x23: {  	_ =	sfence.sel $0x180000  }
0x24: {  	[bflag:$0x0] =	sbarrier.arrive $0xFFFF  }
0x25: {  	p0 =	sne.s32 s0, $0x0;
	_ =	strace $0x9000004D  }
0x26: {  	s0 =	sadd.s32 @!p0 $0x100000, s1;
	[bflag:$0x2] =	sbarrier.arrive $0xFFFF  }
0x27: {  	[sflag:s0] =	ssyncadd.tile.s32 @!p0 $0x1;
	_ =	shalt  }
.Lfunc_end2:
_tile_overlayer_lowered:
.L_overlay_start_2:
0x28: {  	(tag) =	ssettag $0x2  }
0x29: {  	s0 =	rddreg [dreg:$0x0];
	s2 =	stileid.u32  }
0x2a: {  	s1 =	rddreg [dreg:$0x1];
	p0 =	sne.s32 s2, $0x0  }
0x2b: {  	s3 =	rddreg [dreg:$0x2];
	[bflag:$0x3] =	sbarrier.arrive $0xFFFF;
	s2 =	simm.s32 @!p0 $0x1C02  }
0x2c: {  	[timem:s3], [sflag:s2] =	dma.local @!p0 [hbm:s0], s1  }
0x2d: {  	s0 =	simm.s32 @!p0 $0x2  }
0x2e: {  	_ =	swait.ge @!p0 [sflag:s0], s1  }
0x2f: {  	s1 =	ssub.s32 @!p0 $0x0, s1;
	[sflag:s0] =	ssyncset.done @!p0 $0x0  }
0x30: {  	[sflag:s0] =	ssyncadd.s32 @!p0 s1  }
0x31: {  	[bflag:$0x3] =	sbarrier.arrive $0xFFFF  }
0x32: {  	_ =	shalt  }

// kernel: kernel.19.cloned.1.call-start
scs
__scs_entry_jumppad:
0x0: {  	(pc) =	sbr.rel $0x88, $3  }
0x1: {  	(tag) =	ssettag $0x0;
	lr =	simm.s32 $0x1  }
0x2: {  	[smem:$0x3F92] =	sst lr;
	_ =	strace $0xD0000000  }
0x3: {  	_ = 	snop  }
0x4: {  	_ = 	snop  }
0x5: {  	_ = 	snop  }
0x6: {  	_ = 	snop  }
0x7: {  	_ = 	snop  }
__scs_overlays_trampoline_lowered:
0x8: {  	[smem:$0x3FA1] =	sst s0  }
0x9: {  	[smem:$0x3FA2] =	sst s1  }
0xa: {  	[smem:$0x3FA3] =	sst s2  }
0xb: {  	[smem:$0x3FA4] =	sst s3  }
0xc: {  	[smem:$0x3FA5] =	sst s4  }
0xd: {  	[smem:$0x3FA6] =	sst s5  }
0xe: {  	[smem:$0x3FA7] =	sst s6  }
0xf: {  	[smem:$0x3FA8] =	sst s7  }
0x10: {  	[smem:$0x3FA9] =	sst s8  }
0x11: {  	[smem:$0x3FAA] =	sst s9;
	s0 =	simm.s32 @!p0 $0x0  }
0x12: {  	s1 =	sld [smem:$0x3F90];
	s0 =	simm.s32 @p0 $0x1  }
0x13: {  	[smem:$0x3FAB] =	sst s0;
	s0 =	simm.s32 @!p1 $0x0  }
0x14: {  	s2 =	sld [smem:$0x3F8F];
	s0 =	simm.s32 @p1 $0x1  }
0x15: {  	[smem:$0x3FAC] =	sst s0;
	s0 =	simm.s32 @!p2 $0x0  }
0x16: {  	s3 =	sld [smem:$0x3FDB];
	s0 =	simm.s32 @p2 $0x1  }
0x17: {  	s4 =	simm.s32 $0x1BF5;
	[smem:$0x3FAE] =	sst s0  }
0x18: {  	s0 =	sld [smem:$0x3F91];
	_ =	swait.ge [sflag:s4], $0x0  }
0x19: {  	s7 =	sld [smem:$0x3F92]  }
0x1a: {  	s8 =	sadd.s32 $0xFFFFE003, lr  }
0x1b: {  	s9 =	sadd.s32 $0xFFFFFEF7, lr;
	s5 =	simm.s32 $0xFFFFFFFF;
	p2 =	slt.u32 s8, $0xFFFFF086  }
0x1c: {  	p1 =	slt.u32 s9, $0xF7A;
	s5 =	simm.s32 @!p2 $0x0  }
0x1d: {  	s5 =	simm.s32 @p1 $0x1;
	p0 =	seq.s32 s7, s2  }
0x1e: {  	s7 =	smul.u32 @!p0 $0xF7A, s2;
	p2 =	seq.s32 @!p0 s5, $0x0  }
0x1f: {  	s9 =	smul.u32 $0xF7A, s1;
	s8 =	simm.s32 @!p0 $0x1BF5;
	p2 =	por !p2, p0  }
0x20: {  	[sflag:s8] =	ssyncset.s32 @!p0 $0xFFFFF086;
	s6 =	sadd.s32 @!p0 s3, s7;
	s7 =	simm.s32 @!p0 $0x108  }
0x21: {  	s3 =	sadd.s32 s3, s9;
	s6 =	sadd.s32 @!p0 $0x88, s6;
	s7 =	simm.s32 @p2 $0x1082  }
0x22: {  	[simem:s7], [sflag:s8] =	dma.local @!p0 [hbm:s6], $0xF7A  }
0x23: {  	s9 =	sor.u32 $0xD0000000, s2;
	s6 =	simm.s32 $0x108;
	_ =	swait.ge @!p0 [sflag:s8], $0x0  }
0x24: {  	s3 =	sadd.s32 $0x88, s3;
	s6 =	simm.s32 @!p1 $0x1082;
	[sflag:s4] =	ssyncset.s32 $0xFFFFF086  }
0x25: {  	[simem:s6], [sflag:s4] =	dma.local [hbm:s3], $0xF7A  }
0x26: {  	[smem:$0x3F92] =	sst s1;
	(tag) =	ssettag s2;
	_ =	strace s9  }
0x27: {  	s1 =	sld [smem:$0x3FA2]  }
0x28: {  	s2 =	sld [smem:$0x3FA3]  }
0x29: {  	s4 =	sld [smem:$0x3FA5]  }
0x2a: {  	p0 =	seq.s32 s5, $0x0;
	s5 =	sld [smem:$0x3FA6]  }
0x2b: {  	s6 =	sld [smem:$0x3FA7]  }
0x2c: {  	s7 =	sld [smem:$0x3FA8]  }
0x2d: {  	s3 =	simm.s32 $0x108;
	s8 =	sld [smem:$0x3FA9]  }
0x2e: {  	s3 =	simm.s32 @!p0 $0x1082;
	s9 =	sld [smem:$0x3FAA]  }
0x2f: {  	lr =	sadd.s32 s0, s3;
	s0 =	sld [smem:$0x3FA1]  }
0x30: {  	s3 =	sld [smem:$0x3FA4]  }
0x31: {  	[smem:$0x3FAD] =	sst s10  }
0x32: {  	s10 =	sld [smem:$0x3FAB];
	_ =	sdelay $0x3  }
0x33: {  	p0 =	seq.s32 s10, $0x1;
	s10 =	sld [smem:$0x3FAD];
	_ =	sdelay $0x3  }
0x34: {  	[smem:$0x3FAD] =	sst s10  }
0x35: {  	s10 =	sld [smem:$0x3FAC];
	_ =	sdelay $0x3  }
0x36: {  	p1 =	seq.s32 s10, $0x1;
	s10 =	sld [smem:$0x3FAD];
	_ =	sdelay $0x3  }
0x37: {  	[smem:$0x3FAD] =	sst s10  }
0x38: {  	s10 =	sld [smem:$0x3FAE]  }
0x39: {  	_ = 	snop;
	(pc) =	sbr.ind lr, $3  }
0x3a: {  	_ = 	snop  }
0x3b: {  	_ = 	snop  }
0x3c: {  	p2 =	seq.s32 s10, $0x1;
	s10 =	sld [smem:$0x3FAD]  }
0x3d: {  	_ =	shalt  }
0x3e: {  	_ =	shalt  }
0x3f: {  	_ =	shalt  }
0x40: {  	_ =	shalt  }
0x41: {  	_ =	shalt  }
0x42: {  	_ =	shalt  }
0x43: {  	_ =	shalt  }
0x44: {  	_ =	shalt  }
0x45: {  	_ =	shalt  }
0x46: {  	_ =	shalt  }
0x47: {  	_ =	shalt  }
0x48: {  	_ =	shalt  }
0x49: {  	_ =	shalt  }
0x4a: {  	_ =	shalt  }
0x4b: {  	_ =	shalt  }
0x4c: {  	_ =	shalt  }
0x4d: {  	_ =	shalt  }
0x4e: {  	_ =	shalt  }
0x4f: {  	_ =	shalt  }
0x50: {  	_ =	shalt  }
0x51: {  	_ =	shalt  }
0x52: {  	_ =	shalt  }
0x53: {  	_ =	shalt  }
0x54: {  	_ =	shalt  }
0x55: {  	_ =	shalt  }
0x56: {  	_ =	shalt  }
0x57: {  	_ =	shalt  }
0x58: {  	_ =	shalt  }
0x59: {  	_ =	shalt  }
0x5a: {  	_ =	shalt  }
0x5b: {  	_ =	shalt  }
0x5c: {  	_ =	shalt  }
0x5d: {  	_ =	shalt  }
0x5e: {  	_ =	shalt  }
0x5f: {  	_ =	shalt  }
0x60: {  	_ =	shalt  }
0x61: {  	_ =	shalt  }
0x62: {  	_ =	shalt  }
0x63: {  	_ =	shalt  }
0x64: {  	_ =	shalt  }
0x65: {  	_ =	shalt  }
0x66: {  	_ =	shalt  }
0x67: {  	_ =	shalt  }
0x68: {  	_ =	shalt  }
0x69: {  	_ =	shalt  }
0x6a: {  	_ =	shalt  }
0x6b: {  	_ =	shalt  }
0x6c: {  	_ =	shalt  }
0x6d: {  	_ =	shalt  }
0x6e: {  	_ =	shalt  }
0x6f: {  	_ =	shalt  }
0x70: {  	_ =	shalt  }
0x71: {  	_ =	shalt  }
0x72: {  	_ =	shalt  }
0x73: {  	_ =	shalt  }
0x74: {  	_ =	shalt  }
0x75: {  	_ =	shalt  }
0x76: {  	_ =	shalt  }
0x77: {  	_ =	shalt  }
0x78: {  	_ =	shalt  }
0x79: {  	_ =	shalt  }
0x7a: {  	_ =	shalt  }
0x7b: {  	_ =	shalt  }
0x7c: {  	_ =	shalt  }
0x7d: {  	_ =	shalt  }
0x7e: {  	_ =	shalt  }
0x7f: {  	_ =	shalt  }
0x80: {  	_ =	shalt  }
0x81: {  	_ =	shalt  }
0x82: {  	_ =	shalt  }
0x83: {  	_ =	shalt  }
0x84: {  	_ =	shalt  }
0x85: {  	_ =	shalt  }
0x86: {  	_ =	shalt  }
0x87: {  	_ =	shalt  }
.Lfunc_end0:
.L_simem_size_0:
called_computation.3_lowered:
.L_overlay_start_0:
0x88: {  	s2 =	sld [smem:$0x3FD9]  }
0x89: {  	s3 =	sld [smem:$0x3FFE];
	_ =	sdelay $0x1  }
0x8a: {  	s1 =	srdreg.scid  }
0x8b: {  	s0 =	sand.u32 $0x1, s1  }
0x8c: {  	s16 =	sshll.u32 s0, $0xA;
	s2 =	sadd.s32 s3, s2  }
0x8d: {  	s2 =	sadd.s32 s2, s16  }
0x8e: {  	[smem:$0x3FB9] =	sst s2  }
0x8f: {  	_ = 	snop  }
0x90: {  	(tm) =	ssettm $0x1  }
0x91: {  	s17 =	sld [smem:$0x3FFB];
	_ =	sdelay $0x3  }
0x92: {  	_ =	strace s17  }
0x93: {  	s2 =	sld [smem:$0x3FFC];
	_ =	sdelay $0x3  }
0x94: {  	_ =	strace s2  }
0x95: {  	s2 =	sld [smem:$0x3FFD];
	_ =	sdelay $0x3  }
0x96: {  	_ =	strace s2  }
0x97: {  	_ =	strace $0x8FFFFFFF  }
0x98: {  	s18 =	sld [smem:$0x3FDB];
	_ =	sdelay $0x1  }
0x99: {  	s19 =	simm.s32 $_scs_section_size  }
0x9a: {  	s4 =	simm.s32 $_size__tile_overlayer_lowered;
	s5 =	simm.s32 $_tile_overlayer_lowered  }
0x9b: {  	s22 =	simm.s32 $0x1BFF;
	s21 =	sshll.u32 s5, $0x1;
	s2 =	sadd.s32 s19, s18  }
0x9c: {  	s6 =	simm.s32 $0x0;
	s20 =	sshll.u32 s4, $0x1;
	s4 =	sadd.s32 s21, s2  }
0x9d: {  	[timem:s6], [sflag:s22] =	dma.local [hbm:s4], s20  }
0x9e: {  	_ =	swait.ge [sflag:s22], s20  }
0x9f: {  	s3 =	ssub.s32 $0x0, s20;
	[sflag:s22] =	ssyncset.done $0x0  }
0xa0: {  	[sflag:s22] =	ssyncadd.s32 s3;
	_ =	sdelay $0x1  }
0xa1: {  	s23 =	simm.s32 $0x1B8B  }
0xa2: {  	_ =	swait.ge [sflag:s23], $0x1  }
0xa3: {  	[sflag:s23] =	ssyncset.done $0x0  }
0xa4: {  	s25 =	simm.s32 $0x1B8E;
	s24 =	sld [smem:$0x3FFE];
	[sflag:s23] =	ssyncadd.s32 $0xFFFFFFFF  }
0xa5: {  	s26 =	simm.s32 $execute0_lowered;
	[smem:$0x3FD2] =	sst s25  }
0xa6: {  	s4 =	sshll.u32 s26, $0x1;
	_ =	strace $0x8000004F;
	[dreg:$0x1] =	wrdreg $0xFFFFFFFF  }
0xa7: {  	s28 =	simm.s32 $_size_execute0_lowered;
	s2 =	sadd.s32 s2, s4;
	[dreg:$0x0] =	wrdreg $0x0  }
0xa8: {  	s4 =	sshll.u32 s28, $0x1;
	[dreg:$0x2] =	wrdreg s2  }
0xa9: {  	[dreg:$0x3] =	wrdreg s4  }
0xaa: {  	[dreg:$0x4] =	wrdreg $0xC0  }
0xab: {  	_ =	task [dreg:s6], $0x5FFFF  }
0xac: {  	[dreg:$0x1] =	wrdreg $0xFFFFFFFF  }
0xad: {  	[dreg:$0x0] =	wrdreg $0x60  }
0xae: {  	[dreg:$0x2] =	wrdreg s24  }
0xaf: {  	[dreg:$0x3] =	wrdreg $0x17B800  }
0xb0: {  	[dreg:$0x4] =	wrdreg $0x9  }
0xb1: {  	_ =	task.clear_ibuf [dreg:s6], $0x5FFFF;
	_ =	strace $0x9000004F  }
0xb2: {  	s29 =	simm.s32 $0x9;
	_ =	strace $0x80000051  }
0xb3: {  	_ =	swait.ge [sflag:s29], $0x1  }
0xb4: {  	[sflag:s29] =	ssyncadd.s32 $0xFFFFFFFF  }
0xb5: {  	_ =	strace $0x90000051  }
0xb6: {  	_ =	sfence  }
0xb7: {  	s30 =	sld [smem:$0x0];
	_ =	sdelay $0x2  }
0xb8: {  	s31 =	sshll.u32 s1, $0xD;
	s1 =	sshrl.u32 s1, $0x2  }
0xb9: {  	s3 =	sand.u32 $0x4000, s31;
	s1 =	sadd.s32 s1, s30  }
0xba: {  	s0 =	sor.u32 s3, s0;
	s1 =	sshll.u32 s1, $0x11  }
0xbb: {  	s0 =	sor.u32 s1, s0  }
0xbc: {  	s0 =	sadd.s32 $0x8F2B, s0  }
0xbd: {  	[sflag:s0] =	ssyncadd.remote.s32 $0x1  }
0xbe: {  	_ =	sfence.sel $0xFFFF  }
0xbf: {  	[dreg:$0x0] =	wrdreg $0xFFFFFFFF;
	(pc) =	sbr.abs _section_cstart, $3  }
0xc0: {  	[dreg:$0x1] =	wrdreg $0xFFFFFFFF  }
0xc1: {  	_ =	task.clear_ibuf [dreg:s6], $0x2FFFF;
	_ =	strace $0x9FFFFFFF  }
0xc2: {  	(tm) =	ssettm $0x7FFFFFFF  }
0xc3: {  	_ =	shalt  }
tec
execute0_lowered:
.L_overlay_start_1:
0x0: {  	(tag) =	ssettag $0x1  }
0x1: {  	s1 =	srdreg.scid  }
0x2: {  	s0 =	stileid.u32;
	s4 =	rddreg [dreg:$0x0]  }
0x3: {  	s2 =	rddreg [dreg:$0x1];
	s3 =	simm.s32 $0x0;
	s11 =	simm.s32 $0x14000  }
0x4: {  	s12 =	simm.s32 $0x15400;
	s13 =	simm.s32 $0x1;
	s17 =	simm.s32 $0x0  }
0x5: {  	s5 =	sand.u32 $0x1, s1;
	s1 =	rddreg [dreg:$0x2];
	s10 =	smul.u32 $0x9E00, s0  }
0x6: {  	s29 =	sshll.u32 s0, $0x1;
	[smem:$0x7FF] =	sst s3;
	s15 =	smul.u32 $0x2780, s0  }
0x7: {  	s31 =	sshll.u32 s0, $0x6;
	s6 =	sor.u32 s5, s29;
	s8 =	smul.u32 $0x27800, s5  }
0x8: {  	_ =	strace $0x80000050;
	s5 =	ssub.s32 $0x2, s5;
	s7 =	smul.u32 $0x13880, s6  }
0x9: {  	s6 =	smul.u32 $0x280, s6;
	s9 =	sshrl.u32 s5, $0x1;
	s30 =	sshrl.u32 s10, $0x2  }
0xa: {  	s10 =	simm.s32 $0x2;
	s8 =	sadd.s32 s8, s4;
	s9 =	ssub.s32 s5, s9  }
0xb: {  	s7 =	sadd.s32 s7, s4;
	s6 =	sadd.s32 s6, s4;
	s14 =	sadd.s32 $0x58C00, s8  }
0xc: {  	s8 =	simm.s32 $0x10;
	s4 =	sadd.s32 $0x789A00, s7;
	s5 =	sadd.s32 $0x2A2A00, s6  }
0xd: {  	s6 =	sadd.s32 s30, s2;
	s7 =	smax.u32 s9, $0x1;
	s9 =	simm.s32 $0x80  }
0xe: {  	v0 =	vimm.f32 $0.0e+00;
	s14 =	sadd.s32 s15, s14;
	s15 =	sor.u32 $0x1C02, s31;
	s16 =	sshrl.u32 s6, $0x3  }
.LBB2_1:
0xf: {  	[tilespmem:s3], [sflag:$0x2] =	stream.strided.gather [hbm4b:s4+s8], $0x13880, s9, s8, $0x38;
	[tilespmem:$0x1A300] =	vst v63  }
0x10: {  	_ =	swait.ge [sflag:s10], $0x13880  }
0x11: {  	[sflag:s10] =	ssyncset.done $0x0  }
0x12: {  	[sflag:s10] =	ssyncadd.s32 $0xFFFEC780  }
0x13: {  	[tilespmem:s11], [sflag:$0x2] =	stream.linear.gather [hbm4b:s5+s3], $0x1400, $0x38;
	[tilespmem:$0x1A300] =	vst v63  }
0x14: {  	_ =	swait.ge [sflag:s10], $0x1400  }
0x15: {  	[sflag:s10] =	ssyncset.done $0x0  }
0x16: {  	s18 =	simm.s32 $0x0;
	[sflag:s10] =	ssyncadd.s32 $0xFFFFEC00  }
.LBB2_2:
0x17: {  	p0 =	sne.s32 s18, $0x9DC0  }
.Ltmp0:
0x18: {  	_ = 	snop;
	(pc) =	sbr.rel @p0 .LBB2_2-.Ltmp0, $3  }
0x19: {  	_ =	sdelay $0x1  }
0x1a: {  	s19 =	sshra.s32 s18, $0x2  }
0x1b: {  	s18 =	sadd.s32 $0x40, s18;
	[tilespmem:s19+$0x15400] =	vst v0  }
0x1c: {  	s18 =	simm.s32 $0x40;
	s19 =	simm.s32 $0x0  }
.LBB2_4:
0x1d: {  	p0 =	sne.s32 s18, $0x1DC0;
	[tilespmem:s19+$0x13880] =	vst v0;
	s19 =	smov.u32 s18;
	s18 =	sadd.s32 $0x40, s18  }
.Ltmp1:
0x1e: {  	(pc) =	sbr.rel @p0 .LBB2_4-.Ltmp1, $2  }
0x1f: {  	_ =	sdelay $0x2  }
0x20: {  	s19 =	sshra.s32 s19, $0x2  }
0x21: {  	[tilespmem:s19+$0x13880] =	vst v0  }
0x22: {  	[spmem:s6] =	stream.linear.scatter [tilespmem:s12], [sflag:$0x2], $0x2780, $0x38;
	[tilespmem:$0x1A300] =	vst v63  }
0x23: {  	_ =	swait.ge [sflag:s10], $0x2780  }
0x24: {  	[sflag:s10] =	ssyncset.done $0x0  }
0x25: {  	[sflag:s10] =	ssyncadd.s32 $0xFFFFD880  }
0x26: {  	s18 =	simm.s32 $0x0;
	s19 =	simm.s32 $0x0;
	[bflag:$0x0] =	sbarrier.arrive $0xFFFF  }
.LBB2_6:
0x27: {  	p0 =	sne.s32 s19, $0x4E00  }
.Ltmp2:
0x28: {  	_ = 	snop;
	(pc) =	sbr.rel @p0 .LBB2_6-.Ltmp2, $4  }
0x29: {  	s20 =	sshra.s32 s19, $0x2  }
0x2a: {  	s20 =	sadd.s32 $0x14000, s20  }
0x2b: {  	[spmem:s2] =	stream.indirect.scatter.add.f32 [tilespmem:s18], [sflag:$0x1], $0x10, s20, s9, $0xb8;
	[tilespmem:$0x1A300] =	vst v63  }
0x2c: {  	s19 =	sadd.s32 $0x200, s19;
	s18 =	sadd.s32 $0x800, s18  }
0x2d: {  	_ =	swait.ge [sflag:s13], $0x800  }
0x2e: {  	s18 =	simm.s32 $0x27;
	[sflag:s13] =	ssyncset.done $0x0  }
.LBB2_8:
0x2f: {  	p0 =	sne.s32 s18, $0x1;
	s18 =	sadd.s32 $0xFFFFFFFF, s18;
	[sflag:s13] =	ssyncadd.s32 $0xFFFFF800  }
.Ltmp3:
0x30: {  	(pc) =	sbr.rel @p0 .LBB2_8-.Ltmp3, $3  }
0x31: {  	_ =	sdelay $0x1  }
0x32: {  	_ =	swait.ge [sflag:s13], $0x800  }
0x33: {  	[sflag:s13] =	ssyncset.done $0x0  }
0x34: {  	s17 =	sadd.s32 $0x1, s17  }
0x35: {  	[sflag:s13] =	ssyncadd.s32 $0xFFFFF800;
	p0 =	sne.s32 s17, s7  }
.Ltmp4:
0x36: {  	[bflag:$0x0] =	sbarrier.arrive $0xFFFF;
	(pc) =	sbr.rel @p0 .LBB2_1-.Ltmp4, $4  }
0x37: {  	[hbm:s14@s8], [sflag:s15] =	dma.strided [spmem:s16@s10], $0x4F0, s13, $0x2   }
0x38: {  	_ =	swait.ge [sflag:s10], $0x4F0  }
0x39: {  	[sflag:s10] =	ssyncset.done $0x0  }
0x3a: {  	[sflag:s10] =	ssyncadd.s32 $0xFFFFFB10  }
0x3b: {  	_ =	sfence.sel $0x180000  }
0x3c: {  	[bflag:$0x0] =	sbarrier.arrive $0xFFFF  }
0x3d: {  	p0 =	sne.s32 s0, $0x0;
	_ =	strace $0x90000050  }
0x3e: {  	s0 =	sadd.s32 @!p0 $0x100000, s1;
	[bflag:$0x2] =	sbarrier.arrive $0xFFFF  }
0x3f: {  	[sflag:s0] =	ssyncadd.tile.s32 @!p0 $0x1;
	_ =	shalt  }
.Lfunc_end2:
_tile_overlayer_lowered:
.L_overlay_start_2:
0x40: {  	(tag) =	ssettag $0x2  }
0x41: {  	s0 =	rddreg [dreg:$0x0];
	s2 =	stileid.u32  }
0x42: {  	s1 =	rddreg [dreg:$0x1];
	p0 =	sne.s32 s2, $0x0  }
0x43: {  	s3 =	rddreg [dreg:$0x2];
	[bflag:$0x3] =	sbarrier.arrive $0xFFFF;
	s2 =	simm.s32 @!p0 $0x1C02  }
0x44: {  	[timem:s3], [sflag:s2] =	dma.local @!p0 [hbm:s0], s1  }
0x45: {  	s0 =	simm.s32 @!p0 $0x2  }
0x46: {  	_ =	swait.ge @!p0 [sflag:s0], s1  }
0x47: {  	s1 =	ssub.s32 @!p0 $0x0, s1;
	[sflag:s0] =	ssyncset.done @!p0 $0x0  }
0x48: {  	[sflag:s0] =	ssyncadd.s32 @!p0 s1  }
0x49: {  	[bflag:$0x3] =	sbarrier.arrive $0xFFFF  }
0x4a: {  	_ =	shalt  }

</sc_bundles>
